<compile_context>
chip_gen: v7x
topology: tpu7x:2x2x1
jax: 0.10.2.dev20260603
libtpu: 0.0.44.dev20260713+nightly
codegen_flags: <defaults>
</compile_context>

<pallas_src>
import jax
import jax.numpy as jnp
from jax import lax
from jax.experimental import pallas as pl
from jax.experimental.pallas import tpu as pltpu
from jax.experimental.pallas import tpu_sc as plsc

NUM_CORES = 2
NUM_SUBCORES = 16
C = 128


def _split(r, o_ref):
    half = r.shape[1] // 2
    o_ref[0] = r[:, :half]
    o_ref[1] = r[:, half:]


def _mm_body(x_ref, w_ref, o_ref):
    _split(jnp.dot(x_ref[...], w_ref[...], preferred_element_type=jnp.float32),
           o_ref)


def _fuse_body(p_ref, w_ref, o_ref):
    h = jnp.maximum(jnp.concatenate([p_ref[0], p_ref[1]], axis=1), 0.0)
    _split(jnp.dot(h, w_ref[...], preferred_element_type=jnp.float32), o_ref)


def _make_sc_scatter(acc_n, dh, chunks):
    rpt = acc_n // NUM_SUBCORES
    mesh = plsc.VectorSubcoreMesh(
        core_axis_name="c", subcore_axis_name="s",
        num_cores=NUM_CORES, num_subcores=NUM_SUBCORES)

    def body(h_hbm, src_hbm, dst_hbm, init_hbm, out_hbm,
             src_v, dst_v, rows0, rows1, acc, sem0, sem1):
        cid = lax.axis_index("c")
        sid = lax.axis_index("s")
        hc = h_hbm.at[cid]

        pltpu.sync_copy(src_hbm.at[sid], src_v)
        pltpu.sync_copy(dst_hbm.at[sid], dst_v)
        pltpu.sync_copy(init_hbm.at[cid].at[pl.ds(sid * rpt, rpt)],
                        acc.at[pl.ds(sid * rpt, rpt)])
        plsc.subcore_barrier()

        def gather(j, buf, sem):
            pltpu.async_copy(hc.at[src_v.at[j]], buf, sem)

        def gwait(j, buf, sem):
            pltpu.make_async_copy(hc.at[src_v.at[j]], buf, sem).wait()

        def scatter(j, buf):
            pltpu.sync_copy(buf, acc.at[dst_v.at[j]], add=True)

        gather(0, rows0, sem0)

        def step(i, carry):
            j = 2 * i
            gather(j + 1, rows1, sem1)
            gwait(j, rows0, sem0)
            scatter(j, rows0)
            gather(j + 2, rows0, sem0)
            gwait(j + 1, rows1, sem1)
            scatter(j + 1, rows1)
            return carry

        lax.fori_loop(0, chunks // 2 - 1, step, 0)
        j = chunks - 2
        gather(j + 1, rows1, sem1)
        gwait(j, rows0, sem0)
        scatter(j, rows0)
        gwait(j + 1, rows1, sem1)
        scatter(j + 1, rows1)

        plsc.subcore_barrier()
        pltpu.sync_copy(acc.at[pl.ds(sid * rpt, rpt)],
                        out_hbm.at[cid].at[pl.ds(sid * rpt, rpt)])

    return pl.kernel(
        body,
        out_type=jax.ShapeDtypeStruct((NUM_CORES, acc_n, dh), jnp.float32),
        mesh=mesh,
        compiler_params=pltpu.CompilerParams(use_tc_tiling_on_sc=False),
        scratch_types=[
            pltpu.VMEM((chunks, C), jnp.int32),
            pltpu.VMEM((chunks, C), jnp.int32),
            pltpu.VMEM((C, dh), jnp.float32),
            pltpu.VMEM((C, dh), jnp.float32),
            pltpu.VMEM_SHARED((acc_n, dh), jnp.float32),
            pltpu.SemaphoreType.DMA,
            pltpu.SemaphoreType.DMA,
        ],
    )


def kernel(x, edge_index, W1, b1, W2, b2):
    n = x.shape[0]
    d_hid = W1.shape[1]
    d_out = W2.shape[1]
    e = edge_index.shape[1]
    hh = d_hid // 2
    ho = d_out // 2

    chunks = -(-e // (NUM_SUBCORES * C))
    chunks += chunks % 2
    e_pad = NUM_SUBCORES * chunks * C
    acc_n = (-(-(n + 1) // (NUM_SUBCORES * 8))) * NUM_SUBCORES * 8
    dummy = n
    src = jnp.concatenate(
        [edge_index[0], jnp.zeros((e_pad - e,), jnp.int32)]
    ).reshape(NUM_SUBCORES, chunks, C)
    dst = jnp.concatenate(
        [edge_index[1], jnp.full((e_pad - e,), dummy, jnp.int32)]
    ).reshape(NUM_SUBCORES, chunks, C)
    init1 = jnp.broadcast_to(b1.reshape(2, 1, hh), (2, acc_n, hh))
    init2 = jnp.broadcast_to(b2.reshape(2, 1, ho), (2, acc_n, ho))

    h1 = pl.pallas_call(
        _mm_body,
        out_shape=jax.ShapeDtypeStruct((2, n, hh), jnp.float32))(x, W1)
    p1 = _make_sc_scatter(acc_n, hh, chunks)(h1, src, dst, init1)
    h2 = pl.pallas_call(
        _fuse_body,
        out_shape=jax.ShapeDtypeStruct((2, acc_n, ho), jnp.float32))(p1, W2)
    p2 = _make_sc_scatter(acc_n, ho, chunks)(h2, src, dst, init2)
    return jnp.concatenate([p2[0, :n], p2[1, :n]], axis=1)

# --- scband reference (transcript-rebuilt; emitter-appended) ---
"""Pipeline reference for scband-gcnscatter-gather-4629974745747 (READ-ONLY COPY).

The authoritative reference and input builder live on the scoring server;
editing this copy changes nothing except your own understanding.
"""

import jax, jax.numpy as jnp
import numpy as np

N = 10000
E = 320000
D_IN = 128
D_HID = 128
D_OUT = 128


def setup_inputs(seed: int = 0) -> dict:
    key = jax.random.key(seed)
    k1, k2, k3, k4, k5, k6 = jax.random.split(key, 6)
    x = jax.random.normal(k1, (N, D_IN), dtype=jnp.float32)
    edge_index = jax.random.randint(k2, (2, E), 0, N, dtype=jnp.int32)
    # Learned parameters (Linear weights stored as [in, out]; bias per layer)
    W1 = jax.random.normal(k3, (D_IN, D_HID), dtype=jnp.float32) / np.sqrt(D_IN)
    b1 = jax.random.normal(k4, (D_HID,), dtype=jnp.float32) * 0.01
    W2 = jax.random.normal(k5, (D_HID, D_OUT), dtype=jnp.float32) / np.sqrt(D_HID)
    b2 = jax.random.normal(k6, (D_OUT,), dtype=jnp.float32) * 0.01
    return {"x": x, "edge_index": edge_index, "W1": W1, "b1": b1, "W2": W2, "b2": b2}


def _gcn_conv_scatter_gather(x, edge_index, W, b):
    # x = self.lin(x)
    h = x @ W
    # gather source node features
    src_nodes = edge_index[0]
    source_node_feats = jnp.take(h, src_nodes, axis=0)
    # scatter_add into destination nodes
    dest_nodes = edge_index[1]
    out = jax.ops.segment_sum(source_node_feats, dest_nodes, num_segments=h.shape[0])
    out = out + b
    return out


def reference(x, edge_index, W1, b1, W2, b2):
    h = _gcn_conv_scatter_gather(x, edge_index, W1, b1)
    h = jax.nn.relu(h)
    out = _gcn_conv_scatter_gather(h, edge_index, W2, b2)
    return out

if __name__ == "__main__":
    import jax
    _d = setup_inputs()
    print(jax.jit(kernel)(*tuple(_d.values())))

</pallas_src>

<mosaic_0001>
#map = affine_map<(d0, d1) -> (0, 0, 0)>
module attributes {stable_mosaic.version = 14 : i64} {
  func.func @body(%arg0: i32, %arg1: i32, %arg2: memref<2x10112x64xf32, #tpu.memory_space<hbm>>, %arg3: memref<16x158x128xi32, #tpu.memory_space<hbm>>, %arg4: memref<16x158x128xi32, #tpu.memory_space<hbm>>, %arg5: memref<2x10112x64xf32, #tpu.memory_space<hbm>>, %arg6: memref<2x10112x64xf32, #tpu.memory_space<hbm>>, %arg7: memref<158x128xi32, #tpu.memory_space<vmem>>, %arg8: memref<158x128xi32, #tpu.memory_space<vmem>>, %arg9: memref<128x64xf32, #tpu.memory_space<vmem>>, %arg10: memref<128x64xf32, #tpu.memory_space<vmem>>, %arg11: memref<10112x64xf32, #tpu.memory_space<vmem_shared>>, %arg12: memref<!tpu.dma_semaphore, #tpu.memory_space<semaphore_mem>>, %arg13: memref<!tpu.dma_semaphore, #tpu.memory_space<semaphore_mem>>) attributes {dimension_semantics = [#tpu.dimension_semantics<core_parallel>, #tpu.dimension_semantics<subcore_parallel>], iteration_bounds = array<i64: 2, 16>, scalar_prefetch = 0 : i64, scratch_operands = 7 : i64, tpu.core_type = #tpu.core_type<sc_vector_subcore>, window_params = [{transform_indices = #map}, {transform_indices = #map}, {transform_indices = #map}, {transform_indices = #map}, {transform_indices = #map}]} {
    "tpu.region"() ({
      %run_scoped3A_56 = tpu.sem_alloc : memref<!tpu.dma_semaphore, #tpu.memory_space<semaphore_mem>>
      %dma_start3A_57 = arith.constant 0 : i32
      %dma_start3A_58 = arith.constant 0 : i32
      %dma_start3A_59 = tpu.memref_slice %arg3[%arg1, %dma_start3A_57, %dma_start3A_58] : memref<16x158x128xi32, #tpu.memory_space<hbm>> -> memref<1x158x128xi32, #tpu.memory_space<hbm>>
      %dma_start3A_60 = tpu.memref_squeeze %dma_start3A_59 : memref<1x158x128xi32, #tpu.memory_space<hbm>> -> memref<158x128xi32, #tpu.memory_space<hbm>>
      %dma_start3A_61 = arith.constant 0 : i32
      %dma_start3A_62 = arith.constant 0 : i32
      %dma_start3A_63 = tpu.memref_slice %arg3[%arg1, %dma_start3A_61, %dma_start3A_62] : memref<16x158x128xi32, #tpu.memory_space<hbm>> -> memref<1x158x128xi32, #tpu.memory_space<hbm>>
      %dma_start3A_64 = tpu.memref_squeeze %dma_start3A_63 : memref<1x158x128xi32, #tpu.memory_space<hbm>> -> memref<158x128xi32, #tpu.memory_space<hbm>>
      tpu.enqueue_dma source(%dma_start3A_64 : memref<158x128xi32, #tpu.memory_space<hbm>>) target(%arg7 : memref<158x128xi32, #tpu.memory_space<vmem>>) target_semaphore(%run_scoped3A_56 : memref<!tpu.dma_semaphore, #tpu.memory_space<semaphore_mem>>)
      %dma_wait3A_65 = arith.constant 0 : i32
      %dma_wait3A_66 = arith.constant 0 : i32
      %dma_wait3A_67 = tpu.memref_slice %arg3[%arg1, %dma_wait3A_65, %dma_wait3A_66] : memref<16x158x128xi32, #tpu.memory_space<hbm>> -> memref<1x158x128xi32, #tpu.memory_space<hbm>>
      %dma_wait3A_68 = tpu.memref_squeeze %dma_wait3A_67 : memref<1x158x128xi32, #tpu.memory_space<hbm>> -> memref<158x128xi32, #tpu.memory_space<hbm>>
      %dma_wait3A_69 = arith.constant 0 : i32
      %dma_wait3A_70 = arith.constant 0 : i32
      %dma_wait3A_71 = tpu.memref_slice %arg3[%arg1, %dma_wait3A_69, %dma_wait3A_70] : memref<16x158x128xi32, #tpu.memory_space<hbm>> -> memref<1x158x128xi32, #tpu.memory_space<hbm>>
      %dma_wait3A_72 = tpu.memref_squeeze %dma_wait3A_71 : memref<1x158x128xi32, #tpu.memory_space<hbm>> -> memref<158x128xi32, #tpu.memory_space<hbm>>
      tpu.wait_dma2 semaphore(%run_scoped3A_56 : memref<!tpu.dma_semaphore, #tpu.memory_space<semaphore_mem>>) src(%dma_wait3A_72 : memref<158x128xi32, #tpu.memory_space<hbm>>) dst(%arg7 : memref<158x128xi32, #tpu.memory_space<vmem>>)
      tpu.yield
    }) : () -> ()
    "tpu.region"() ({
      %run_scoped3A_56 = tpu.sem_alloc : memref<!tpu.dma_semaphore, #tpu.memory_space<semaphore_mem>>
      %dma_start3A_57 = arith.constant 0 : i32
      %dma_start3A_58 = arith.constant 0 : i32
      %dma_start3A_59 = tpu.memref_slice %arg4[%arg1, %dma_start3A_57, %dma_start3A_58] : memref<16x158x128xi32, #tpu.memory_space<hbm>> -> memref<1x158x128xi32, #tpu.memory_space<hbm>>
      %dma_start3A_60 = tpu.memref_squeeze %dma_start3A_59 : memref<1x158x128xi32, #tpu.memory_space<hbm>> -> memref<158x128xi32, #tpu.memory_space<hbm>>
      %dma_start3A_61 = arith.constant 0 : i32
      %dma_start3A_62 = arith.constant 0 : i32
      %dma_start3A_63 = tpu.memref_slice %arg4[%arg1, %dma_start3A_61, %dma_start3A_62] : memref<16x158x128xi32, #tpu.memory_space<hbm>> -> memref<1x158x128xi32, #tpu.memory_space<hbm>>
      %dma_start3A_64 = tpu.memref_squeeze %dma_start3A_63 : memref<1x158x128xi32, #tpu.memory_space<hbm>> -> memref<158x128xi32, #tpu.memory_space<hbm>>
      tpu.enqueue_dma source(%dma_start3A_64 : memref<158x128xi32, #tpu.memory_space<hbm>>) target(%arg8 : memref<158x128xi32, #tpu.memory_space<vmem>>) target_semaphore(%run_scoped3A_56 : memref<!tpu.dma_semaphore, #tpu.memory_space<semaphore_mem>>)
      %dma_wait3A_65 = arith.constant 0 : i32
      %dma_wait3A_66 = arith.constant 0 : i32
      %dma_wait3A_67 = tpu.memref_slice %arg4[%arg1, %dma_wait3A_65, %dma_wait3A_66] : memref<16x158x128xi32, #tpu.memory_space<hbm>> -> memref<1x158x128xi32, #tpu.memory_space<hbm>>
      %dma_wait3A_68 = tpu.memref_squeeze %dma_wait3A_67 : memref<1x158x128xi32, #tpu.memory_space<hbm>> -> memref<158x128xi32, #tpu.memory_space<hbm>>
      %dma_wait3A_69 = arith.constant 0 : i32
      %dma_wait3A_70 = arith.constant 0 : i32
      %dma_wait3A_71 = tpu.memref_slice %arg4[%arg1, %dma_wait3A_69, %dma_wait3A_70] : memref<16x158x128xi32, #tpu.memory_space<hbm>> -> memref<1x158x128xi32, #tpu.memory_space<hbm>>
      %dma_wait3A_72 = tpu.memref_squeeze %dma_wait3A_71 : memref<1x158x128xi32, #tpu.memory_space<hbm>> -> memref<158x128xi32, #tpu.memory_space<hbm>>
      tpu.wait_dma2 semaphore(%run_scoped3A_56 : memref<!tpu.dma_semaphore, #tpu.memory_space<semaphore_mem>>) src(%dma_wait3A_72 : memref<158x128xi32, #tpu.memory_space<hbm>>) dst(%arg8 : memref<158x128xi32, #tpu.memory_space<vmem>>)
      tpu.yield
    }) : () -> ()
    %mul3A = arith.constant 632 : i32
    %mul3A_0 = arith.muli %arg1, %mul3A : i32
    %mul3A_1 = arith.constant 632 : i32
    %mul3A_2 = arith.muli %arg1, %mul3A_1 : i32
    "tpu.region"() ({
      %run_scoped3A_56 = tpu.sem_alloc : memref<!tpu.dma_semaphore, #tpu.memory_space<semaphore_mem>>
      %dma_start3A_57 = arith.constant 0 : i32
      %dma_start3A_58 = tpu.memref_slice %arg11[%mul3A_2, %dma_start3A_57] : memref<10112x64xf32, #tpu.memory_space<vmem_shared>> -> memref<632x64xf32, #tpu.memory_space<vmem_shared>>
      %dma_start3A_59 = arith.constant 0 : i32
      %dma_start3A_60 = arith.constant 0 : i32
      %dma_start3A_61 = tpu.memref_slice %arg5[%arg0, %dma_start3A_59, %dma_start3A_60] : memref<2x10112x64xf32, #tpu.memory_space<hbm>> -> memref<1x10112x64xf32, #tpu.memory_space<hbm>>
      %dma_start3A_62 = tpu.memref_squeeze %dma_start3A_61 : memref<1x10112x64xf32, #tpu.memory_space<hbm>> -> memref<10112x64xf32, #tpu.memory_space<hbm>>
      %dma_start3A_63 = arith.constant 0 : i32
      %dma_start3A_64 = tpu.memref_slice %dma_start3A_62[%mul3A_0, %dma_start3A_63] : memref<10112x64xf32, #tpu.memory_space<hbm>> -> memref<632x64xf32, #tpu.memory_space<hbm>>
      tpu.enqueue_dma source(%dma_start3A_64 : memref<632x64xf32, #tpu.memory_space<hbm>>) target(%dma_start3A_58 : memref<632x64xf32, #tpu.memory_space<vmem_shared>>) target_semaphore(%run_scoped3A_56 : memref<!tpu.dma_semaphore, #tpu.memory_space<semaphore_mem>>)
      %dma_wait3A_65 = arith.constant 0 : i32
      %dma_wait3A_66 = tpu.memref_slice %arg11[%mul3A_2, %dma_wait3A_65] : memref<10112x64xf32, #tpu.memory_space<vmem_shared>> -> memref<632x64xf32, #tpu.memory_space<vmem_shared>>
      %dma_wait3A_67 = arith.constant 0 : i32
      %dma_wait3A_68 = arith.constant 0 : i32
      %dma_wait3A_69 = tpu.memref_slice %arg5[%arg0, %dma_wait3A_67, %dma_wait3A_68] : memref<2x10112x64xf32, #tpu.memory_space<hbm>> -> memref<1x10112x64xf32, #tpu.memory_space<hbm>>
      %dma_wait3A_70 = tpu.memref_squeeze %dma_wait3A_69 : memref<1x10112x64xf32, #tpu.memory_space<hbm>> -> memref<10112x64xf32, #tpu.memory_space<hbm>>
      %dma_wait3A_71 = arith.constant 0 : i32
      %dma_wait3A_72 = tpu.memref_slice %dma_wait3A_70[%mul3A_0, %dma_wait3A_71] : memref<10112x64xf32, #tpu.memory_space<hbm>> -> memref<632x64xf32, #tpu.memory_space<hbm>>
      tpu.wait_dma2 semaphore(%run_scoped3A_56 : memref<!tpu.dma_semaphore, #tpu.memory_space<semaphore_mem>>) src(%dma_wait3A_72 : memref<632x64xf32, #tpu.memory_space<hbm>>) dst(%dma_wait3A_66 : memref<632x64xf32, #tpu.memory_space<vmem_shared>>)
      tpu.yield
    }) : () -> ()
    %barrier3A = arith.constant 0 : index
    tpu.barrier barrier_id(%barrier3A)
    %dma_start3A = arith.constant 0 : i32
    %dma_start3A_3 = arith.constant 0 : i32
    %dma_start3A_4 = tpu.memref_slice %arg7[%dma_start3A, %dma_start3A_3] : memref<158x128xi32, #tpu.memory_space<vmem>> -> memref<1x128xi32, #tpu.memory_space<vmem>>
    %dma_start3A_5 = tpu.memref_squeeze %dma_start3A_4 : memref<1x128xi32, #tpu.memory_space<vmem>> -> memref<128xi32, #tpu.memory_space<vmem>>
    %dma_start3A_6 = arith.constant 0 : i32
    %dma_start3A_7 = arith.constant 0 : i32
    %dma_start3A_8 = tpu.memref_slice %arg2[%arg0, %dma_start3A_6, %dma_start3A_7] : memref<2x10112x64xf32, #tpu.memory_space<hbm>> -> memref<1x10112x64xf32, #tpu.memory_space<hbm>>
    %dma_start3A_9 = tpu.memref_squeeze %dma_start3A_8 : memref<1x10112x64xf32, #tpu.memory_space<hbm>> -> memref<10112x64xf32, #tpu.memory_space<hbm>>
    %dma_start3A_10 = arith.constant 0 : i32
    %dma_start3A_11 = arith.constant 0 : i32
    %dma_start3A_12 = tpu.memref_slice %dma_start3A_9[%dma_start3A_10, %dma_start3A_11] : memref<10112x64xf32, #tpu.memory_space<hbm>> -> memref<10112x64xf32, #tpu.memory_space<hbm>>
    tpu.enqueue_indirect_dma source(%dma_start3A_12 : memref<10112x64xf32, #tpu.memory_space<hbm>>) target(%arg9 : memref<128x64xf32, #tpu.memory_space<vmem>>) offsets(%dma_start3A_5 : memref<128xi32, #tpu.memory_space<vmem>>) semaphore(%arg12 : memref<!tpu.dma_semaphore, #tpu.memory_space<semaphore_mem>>)
    %scan3A = arith.constant 0 : i32
    %scan3A_13 = arith.constant 0 : i32
    %scan3A_14 = arith.constant 78 : i32
    %scan3A_15 = arith.addi %scan3A_13, %scan3A_14 : i32
    %scan3A_16 = arith.constant 1 : i32
    scf.for %scan3A_56 = %scan3A_13 to %scan3A_15 step %scan3A_16  : i32 {
      %mul3A_57 = arith.constant 2 : i32
      %mul3A_58 = arith.muli %mul3A_57, %scan3A_56 : i32
      %add3A = arith.constant 1 : i32
      %add3A_59 = arith.addi %mul3A_58, %add3A : i32
      %dma_start3A_60 = arith.constant 0 : i32
      %dma_start3A_61 = tpu.memref_slice %arg7[%add3A_59, %dma_start3A_60] : memref<158x128xi32, #tpu.memory_space<vmem>> -> memref<1x128xi32, #tpu.memory_space<vmem>>
      %dma_start3A_62 = tpu.memref_squeeze %dma_start3A_61 : memref<1x128xi32, #tpu.memory_space<vmem>> -> memref<128xi32, #tpu.memory_space<vmem>>
      %dma_start3A_63 = arith.constant 0 : i32
      %dma_start3A_64 = arith.constant 0 : i32
      %dma_start3A_65 = tpu.memref_slice %arg2[%arg0, %dma_start3A_63, %dma_start3A_64] : memref<2x10112x64xf32, #tpu.memory_space<hbm>> -> memref<1x10112x64xf32, #tpu.memory_space<hbm>>
      %dma_start3A_66 = tpu.memref_squeeze %dma_start3A_65 : memref<1x10112x64xf32, #tpu.memory_space<hbm>> -> memref<10112x64xf32, #tpu.memory_space<hbm>>
      %dma_start3A_67 = arith.constant 0 : i32
      %dma_start3A_68 = arith.constant 0 : i32
      %dma_start3A_69 = tpu.memref_slice %dma_start3A_66[%dma_start3A_67, %dma_start3A_68] : memref<10112x64xf32, #tpu.memory_space<hbm>> -> memref<10112x64xf32, #tpu.memory_space<hbm>>
      tpu.enqueue_indirect_dma source(%dma_start3A_69 : memref<10112x64xf32, #tpu.memory_space<hbm>>) target(%arg10 : memref<128x64xf32, #tpu.memory_space<vmem>>) offsets(%dma_start3A_62 : memref<128xi32, #tpu.memory_space<vmem>>) semaphore(%arg13 : memref<!tpu.dma_semaphore, #tpu.memory_space<semaphore_mem>>)
      %dma_wait3A_70 = arith.constant 0 : i32
      %dma_wait3A_71 = tpu.memref_slice %arg7[%mul3A_58, %dma_wait3A_70] : memref<158x128xi32, #tpu.memory_space<vmem>> -> memref<1x128xi32, #tpu.memory_space<vmem>>
      %dma_wait3A_72 = tpu.memref_squeeze %dma_wait3A_71 : memref<1x128xi32, #tpu.memory_space<vmem>> -> memref<128xi32, #tpu.memory_space<vmem>>
      %dma_wait3A_73 = arith.constant 0 : i32
      %dma_wait3A_74 = arith.constant 0 : i32
      %dma_wait3A_75 = tpu.memref_slice %arg2[%arg0, %dma_wait3A_73, %dma_wait3A_74] : memref<2x10112x64xf32, #tpu.memory_space<hbm>> -> memref<1x10112x64xf32, #tpu.memory_space<hbm>>
      %dma_wait3A_76 = tpu.memref_squeeze %dma_wait3A_75 : memref<1x10112x64xf32, #tpu.memory_space<hbm>> -> memref<10112x64xf32, #tpu.memory_space<hbm>>
      %dma_wait3A_77 = arith.constant 0 : i32
      %dma_wait3A_78 = arith.constant 0 : i32
      %dma_wait3A_79 = tpu.memref_slice %dma_wait3A_76[%dma_wait3A_77, %dma_wait3A_78] : memref<10112x64xf32, #tpu.memory_space<hbm>> -> memref<10112x64xf32, #tpu.memory_space<hbm>>
      tpu.wait_indirect_dma semaphore(%arg12 : memref<!tpu.dma_semaphore, #tpu.memory_space<semaphore_mem>>) src(%dma_wait3A_79 : memref<10112x64xf32, #tpu.memory_space<hbm>>) dst(%arg9 : memref<128x64xf32, #tpu.memory_space<vmem>>)
      "tpu.region"() ({
        %run_scoped3A_106 = tpu.sem_alloc : memref<!tpu.dma_semaphore, #tpu.memory_space<semaphore_mem>>
        %dma_start3A_107 = arith.constant 0 : i32
        %dma_start3A_108 = tpu.memref_slice %arg8[%mul3A_58, %dma_start3A_107] : memref<158x128xi32, #tpu.memory_space<vmem>> -> memref<1x128xi32, #tpu.memory_space<vmem>>
        %dma_start3A_109 = tpu.memref_squeeze %dma_start3A_108 : memref<1x128xi32, #tpu.memory_space<vmem>> -> memref<128xi32, #tpu.memory_space<vmem>>
        %dma_start3A_110 = arith.constant 0 : i32
        %dma_start3A_111 = arith.constant 0 : i32
        %dma_start3A_112 = tpu.memref_slice %arg11[%dma_start3A_110, %dma_start3A_111] : memref<10112x64xf32, #tpu.memory_space<vmem_shared>> -> memref<10112x64xf32, #tpu.memory_space<vmem_shared>>
        tpu.enqueue_indirect_dma source(%arg9 : memref<128x64xf32, #tpu.memory_space<vmem>>) target(%dma_start3A_112 : memref<10112x64xf32, #tpu.memory_space<vmem_shared>>) offsets(%dma_start3A_109 : memref<128xi32, #tpu.memory_space<vmem>>) semaphore(%run_scoped3A_106 : memref<!tpu.dma_semaphore, #tpu.memory_space<semaphore_mem>>) {add = true}
        %dma_wait3A_113 = arith.constant 0 : i32
        %dma_wait3A_114 = tpu.memref_slice %arg8[%mul3A_58, %dma_wait3A_113] : memref<158x128xi32, #tpu.memory_space<vmem>> -> memref<1x128xi32, #tpu.memory_space<vmem>>
        %dma_wait3A_115 = tpu.memref_squeeze %dma_wait3A_114 : memref<1x128xi32, #tpu.memory_space<vmem>> -> memref<128xi32, #tpu.memory_space<vmem>>
        %dma_wait3A_116 = arith.constant 0 : i32
        %dma_wait3A_117 = arith.constant 0 : i32
        %dma_wait3A_118 = tpu.memref_slice %arg11[%dma_wait3A_116, %dma_wait3A_117] : memref<10112x64xf32, #tpu.memory_space<vmem_shared>> -> memref<10112x64xf32, #tpu.memory_space<vmem_shared>>
        tpu.wait_indirect_dma semaphore(%run_scoped3A_106 : memref<!tpu.dma_semaphore, #tpu.memory_space<semaphore_mem>>) src(%arg9 : memref<128x64xf32, #tpu.memory_space<vmem>>) dst(%dma_wait3A_118 : memref<10112x64xf32, #tpu.memory_space<vmem_shared>>)
        tpu.yield
      }) : () -> ()
      %add3A_80 = arith.constant 2 : i32
      %add3A_81 = arith.addi %mul3A_58, %add3A_80 : i32
      %dma_start3A_82 = arith.constant 0 : i32
      %dma_start3A_83 = tpu.memref_slice %arg7[%add3A_81, %dma_start3A_82] : memref<158x128xi32, #tpu.memory_space<vmem>> -> memref<1x128xi32, #tpu.memory_space<vmem>>
      %dma_start3A_84 = tpu.memref_squeeze %dma_start3A_83 : memref<1x128xi32, #tpu.memory_space<vmem>> -> memref<128xi32, #tpu.memory_space<vmem>>
      %dma_start3A_85 = arith.constant 0 : i32
      %dma_start3A_86 = arith.constant 0 : i32
      %dma_start3A_87 = tpu.memref_slice %arg2[%arg0, %dma_start3A_85, %dma_start3A_86] : memref<2x10112x64xf32, #tpu.memory_space<hbm>> -> memref<1x10112x64xf32, #tpu.memory_space<hbm>>
      %dma_start3A_88 = tpu.memref_squeeze %dma_start3A_87 : memref<1x10112x64xf32, #tpu.memory_space<hbm>> -> memref<10112x64xf32, #tpu.memory_space<hbm>>
      %dma_start3A_89 = arith.constant 0 : i32
      %dma_start3A_90 = arith.constant 0 : i32
      %dma_start3A_91 = tpu.memref_slice %dma_start3A_88[%dma_start3A_89, %dma_start3A_90] : memref<10112x64xf32, #tpu.memory_space<hbm>> -> memref<10112x64xf32, #tpu.memory_space<hbm>>
      tpu.enqueue_indirect_dma source(%dma_start3A_91 : memref<10112x64xf32, #tpu.memory_space<hbm>>) target(%arg9 : memref<128x64xf32, #tpu.memory_space<vmem>>) offsets(%dma_start3A_84 : memref<128xi32, #tpu.memory_space<vmem>>) semaphore(%arg12 : memref<!tpu.dma_semaphore, #tpu.memory_space<semaphore_mem>>)
      %add3A_92 = arith.constant 1 : i32
      %add3A_93 = arith.addi %mul3A_58, %add3A_92 : i32
      %dma_wait3A_94 = arith.constant 0 : i32
      %dma_wait3A_95 = tpu.memref_slice %arg7[%add3A_93, %dma_wait3A_94] : memref<158x128xi32, #tpu.memory_space<vmem>> -> memref<1x128xi32, #tpu.memory_space<vmem>>
      %dma_wait3A_96 = tpu.memref_squeeze %dma_wait3A_95 : memref<1x128xi32, #tpu.memory_space<vmem>> -> memref<128xi32, #tpu.memory_space<vmem>>
      %dma_wait3A_97 = arith.constant 0 : i32
      %dma_wait3A_98 = arith.constant 0 : i32
      %dma_wait3A_99 = tpu.memref_slice %arg2[%arg0, %dma_wait3A_97, %dma_wait3A_98] : memref<2x10112x64xf32, #tpu.memory_space<hbm>> -> memref<1x10112x64xf32, #tpu.memory_space<hbm>>
      %dma_wait3A_100 = tpu.memref_squeeze %dma_wait3A_99 : memref<1x10112x64xf32, #tpu.memory_space<hbm>> -> memref<10112x64xf32, #tpu.memory_space<hbm>>
      %dma_wait3A_101 = arith.constant 0 : i32
      %dma_wait3A_102 = arith.constant 0 : i32
      %dma_wait3A_103 = tpu.memref_slice %dma_wait3A_100[%dma_wait3A_101, %dma_wait3A_102] : memref<10112x64xf32, #tpu.memory_space<hbm>> -> memref<10112x64xf32, #tpu.memory_space<hbm>>
      tpu.wait_indirect_dma semaphore(%arg13 : memref<!tpu.dma_semaphore, #tpu.memory_space<semaphore_mem>>) src(%dma_wait3A_103 : memref<10112x64xf32, #tpu.memory_space<hbm>>) dst(%arg10 : memref<128x64xf32, #tpu.memory_space<vmem>>)
      %add3A_104 = arith.constant 1 : i32
      %add3A_105 = arith.addi %mul3A_58, %add3A_104 : i32
      "tpu.region"() ({
        %run_scoped3A_106 = tpu.sem_alloc : memref<!tpu.dma_semaphore, #tpu.memory_space<semaphore_mem>>
        %dma_start3A_107 = arith.constant 0 : i32
        %dma_start3A_108 = tpu.memref_slice %arg8[%add3A_105, %dma_start3A_107] : memref<158x128xi32, #tpu.memory_space<vmem>> -> memref<1x128xi32, #tpu.memory_space<vmem>>
        %dma_start3A_109 = tpu.memref_squeeze %dma_start3A_108 : memref<1x128xi32, #tpu.memory_space<vmem>> -> memref<128xi32, #tpu.memory_space<vmem>>
        %dma_start3A_110 = arith.constant 0 : i32
        %dma_start3A_111 = arith.constant 0 : i32
        %dma_start3A_112 = tpu.memref_slice %arg11[%dma_start3A_110, %dma_start3A_111] : memref<10112x64xf32, #tpu.memory_space<vmem_shared>> -> memref<10112x64xf32, #tpu.memory_space<vmem_shared>>
        tpu.enqueue_indirect_dma source(%arg10 : memref<128x64xf32, #tpu.memory_space<vmem>>) target(%dma_start3A_112 : memref<10112x64xf32, #tpu.memory_space<vmem_shared>>) offsets(%dma_start3A_109 : memref<128xi32, #tpu.memory_space<vmem>>) semaphore(%run_scoped3A_106 : memref<!tpu.dma_semaphore, #tpu.memory_space<semaphore_mem>>) {add = true}
        %dma_wait3A_113 = arith.constant 0 : i32
        %dma_wait3A_114 = tpu.memref_slice %arg8[%add3A_105, %dma_wait3A_113] : memref<158x128xi32, #tpu.memory_space<vmem>> -> memref<1x128xi32, #tpu.memory_space<vmem>>
        %dma_wait3A_115 = tpu.memref_squeeze %dma_wait3A_114 : memref<1x128xi32, #tpu.memory_space<vmem>> -> memref<128xi32, #tpu.memory_space<vmem>>
        %dma_wait3A_116 = arith.constant 0 : i32
        %dma_wait3A_117 = arith.constant 0 : i32
        %dma_wait3A_118 = tpu.memref_slice %arg11[%dma_wait3A_116, %dma_wait3A_117] : memref<10112x64xf32, #tpu.memory_space<vmem_shared>> -> memref<10112x64xf32, #tpu.memory_space<vmem_shared>>
        tpu.wait_indirect_dma semaphore(%run_scoped3A_106 : memref<!tpu.dma_semaphore, #tpu.memory_space<semaphore_mem>>) src(%arg10 : memref<128x64xf32, #tpu.memory_space<vmem>>) dst(%dma_wait3A_118 : memref<10112x64xf32, #tpu.memory_space<vmem_shared>>)
        tpu.yield
      }) : () -> ()
    }
    %scan3A_17 = arith.constant 78 : i32
    %dma_start3A_18 = arith.constant 157 : i32
    %dma_start3A_19 = arith.constant 0 : i32
    %dma_start3A_20 = tpu.memref_slice %arg7[%dma_start3A_18, %dma_start3A_19] : memref<158x128xi32, #tpu.memory_space<vmem>> -> memref<1x128xi32, #tpu.memory_space<vmem>>
    %dma_start3A_21 = tpu.memref_squeeze %dma_start3A_20 : memref<1x128xi32, #tpu.memory_space<vmem>> -> memref<128xi32, #tpu.memory_space<vmem>>
    %dma_start3A_22 = arith.constant 0 : i32
    %dma_start3A_23 = arith.constant 0 : i32
    %dma_start3A_24 = tpu.memref_slice %arg2[%arg0, %dma_start3A_22, %dma_start3A_23] : memref<2x10112x64xf32, #tpu.memory_space<hbm>> -> memref<1x10112x64xf32, #tpu.memory_space<hbm>>
    %dma_start3A_25 = tpu.memref_squeeze %dma_start3A_24 : memref<1x10112x64xf32, #tpu.memory_space<hbm>> -> memref<10112x64xf32, #tpu.memory_space<hbm>>
    %dma_start3A_26 = arith.constant 0 : i32
    %dma_start3A_27 = arith.constant 0 : i32
    %dma_start3A_28 = tpu.memref_slice %dma_start3A_25[%dma_start3A_26, %dma_start3A_27] : memref<10112x64xf32, #tpu.memory_space<hbm>> -> memref<10112x64xf32, #tpu.memory_space<hbm>>
    tpu.enqueue_indirect_dma source(%dma_start3A_28 : memref<10112x64xf32, #tpu.memory_space<hbm>>) target(%arg10 : memref<128x64xf32, #tpu.memory_space<vmem>>) offsets(%dma_start3A_21 : memref<128xi32, #tpu.memory_space<vmem>>) semaphore(%arg13 : memref<!tpu.dma_semaphore, #tpu.memory_space<semaphore_mem>>)
    %dma_wait3A = arith.constant 156 : i32
    %dma_wait3A_29 = arith.constant 0 : i32
    %dma_wait3A_30 = tpu.memref_slice %arg7[%dma_wait3A, %dma_wait3A_29] : memref<158x128xi32, #tpu.memory_space<vmem>> -> memref<1x128xi32, #tpu.memory_space<vmem>>
    %dma_wait3A_31 = tpu.memref_squeeze %dma_wait3A_30 : memref<1x128xi32, #tpu.memory_space<vmem>> -> memref<128xi32, #tpu.memory_space<vmem>>
    %dma_wait3A_32 = arith.constant 0 : i32
    %dma_wait3A_33 = arith.constant 0 : i32
    %dma_wait3A_34 = tpu.memref_slice %arg2[%arg0, %dma_wait3A_32, %dma_wait3A_33] : memref<2x10112x64xf32, #tpu.memory_space<hbm>> -> memref<1x10112x64xf32, #tpu.memory_space<hbm>>
    %dma_wait3A_35 = tpu.memref_squeeze %dma_wait3A_34 : memref<1x10112x64xf32, #tpu.memory_space<hbm>> -> memref<10112x64xf32, #tpu.memory_space<hbm>>
    %dma_wait3A_36 = arith.constant 0 : i32
    %dma_wait3A_37 = arith.constant 0 : i32
    %dma_wait3A_38 = tpu.memref_slice %dma_wait3A_35[%dma_wait3A_36, %dma_wait3A_37] : memref<10112x64xf32, #tpu.memory_space<hbm>> -> memref<10112x64xf32, #tpu.memory_space<hbm>>
    tpu.wait_indirect_dma semaphore(%arg12 : memref<!tpu.dma_semaphore, #tpu.memory_space<semaphore_mem>>) src(%dma_wait3A_38 : memref<10112x64xf32, #tpu.memory_space<hbm>>) dst(%arg9 : memref<128x64xf32, #tpu.memory_space<vmem>>)
    %run_scoped3A = arith.constant 156 : i32
    "tpu.region"() ({
      %run_scoped3A_56 = tpu.sem_alloc : memref<!tpu.dma_semaphore, #tpu.memory_space<semaphore_mem>>
      %dma_start3A_57 = arith.constant 0 : i32
      %dma_start3A_58 = tpu.memref_slice %arg8[%run_scoped3A, %dma_start3A_57] : memref<158x128xi32, #tpu.memory_space<vmem>> -> memref<1x128xi32, #tpu.memory_space<vmem>>
      %dma_start3A_59 = tpu.memref_squeeze %dma_start3A_58 : memref<1x128xi32, #tpu.memory_space<vmem>> -> memref<128xi32, #tpu.memory_space<vmem>>
      %dma_start3A_60 = arith.constant 0 : i32
      %dma_start3A_61 = arith.constant 0 : i32
      %dma_start3A_62 = tpu.memref_slice %arg11[%dma_start3A_60, %dma_start3A_61] : memref<10112x64xf32, #tpu.memory_space<vmem_shared>> -> memref<10112x64xf32, #tpu.memory_space<vmem_shared>>
      tpu.enqueue_indirect_dma source(%arg9 : memref<128x64xf32, #tpu.memory_space<vmem>>) target(%dma_start3A_62 : memref<10112x64xf32, #tpu.memory_space<vmem_shared>>) offsets(%dma_start3A_59 : memref<128xi32, #tpu.memory_space<vmem>>) semaphore(%run_scoped3A_56 : memref<!tpu.dma_semaphore, #tpu.memory_space<semaphore_mem>>) {add = true}
      %dma_wait3A_63 = arith.constant 0 : i32
      %dma_wait3A_64 = tpu.memref_slice %arg8[%run_scoped3A, %dma_wait3A_63] : memref<158x128xi32, #tpu.memory_space<vmem>> -> memref<1x128xi32, #tpu.memory_space<vmem>>
      %dma_wait3A_65 = tpu.memref_squeeze %dma_wait3A_64 : memref<1x128xi32, #tpu.memory_space<vmem>> -> memref<128xi32, #tpu.memory_space<vmem>>
      %dma_wait3A_66 = arith.constant 0 : i32
      %dma_wait3A_67 = arith.constant 0 : i32
      %dma_wait3A_68 = tpu.memref_slice %arg11[%dma_wait3A_66, %dma_wait3A_67] : memref<10112x64xf32, #tpu.memory_space<vmem_shared>> -> memref<10112x64xf32, #tpu.memory_space<vmem_shared>>
      tpu.wait_indirect_dma semaphore(%run_scoped3A_56 : memref<!tpu.dma_semaphore, #tpu.memory_space<semaphore_mem>>) src(%arg9 : memref<128x64xf32, #tpu.memory_space<vmem>>) dst(%dma_wait3A_68 : memref<10112x64xf32, #tpu.memory_space<vmem_shared>>)
      tpu.yield
    }) : () -> ()
    %dma_wait3A_39 = arith.constant 157 : i32
    %dma_wait3A_40 = arith.constant 0 : i32
    %dma_wait3A_41 = tpu.memref_slice %arg7[%dma_wait3A_39, %dma_wait3A_40] : memref<158x128xi32, #tpu.memory_space<vmem>> -> memref<1x128xi32, #tpu.memory_space<vmem>>
    %dma_wait3A_42 = tpu.memref_squeeze %dma_wait3A_41 : memref<1x128xi32, #tpu.memory_space<vmem>> -> memref<128xi32, #tpu.memory_space<vmem>>
    %dma_wait3A_43 = arith.constant 0 : i32
    %dma_wait3A_44 = arith.constant 0 : i32
    %dma_wait3A_45 = tpu.memref_slice %arg2[%arg0, %dma_wait3A_43, %dma_wait3A_44] : memref<2x10112x64xf32, #tpu.memory_space<hbm>> -> memref<1x10112x64xf32, #tpu.memory_space<hbm>>
    %dma_wait3A_46 = tpu.memref_squeeze %dma_wait3A_45 : memref<1x10112x64xf32, #tpu.memory_space<hbm>> -> memref<10112x64xf32, #tpu.memory_space<hbm>>
    %dma_wait3A_47 = arith.constant 0 : i32
    %dma_wait3A_48 = arith.constant 0 : i32
    %dma_wait3A_49 = tpu.memref_slice %dma_wait3A_46[%dma_wait3A_47, %dma_wait3A_48] : memref<10112x64xf32, #tpu.memory_space<hbm>> -> memref<10112x64xf32, #tpu.memory_space<hbm>>
    tpu.wait_indirect_dma semaphore(%arg13 : memref<!tpu.dma_semaphore, #tpu.memory_space<semaphore_mem>>) src(%dma_wait3A_49 : memref<10112x64xf32, #tpu.memory_space<hbm>>) dst(%arg10 : memref<128x64xf32, #tpu.memory_space<vmem>>)
    %run_scoped3A_50 = arith.constant 157 : i32
    "tpu.region"() ({
      %run_scoped3A_56 = tpu.sem_alloc : memref<!tpu.dma_semaphore, #tpu.memory_space<semaphore_mem>>
      %dma_start3A_57 = arith.constant 0 : i32
      %dma_start3A_58 = tpu.memref_slice %arg8[%run_scoped3A_50, %dma_start3A_57] : memref<158x128xi32, #tpu.memory_space<vmem>> -> memref<1x128xi32, #tpu.memory_space<vmem>>
      %dma_start3A_59 = tpu.memref_squeeze %dma_start3A_58 : memref<1x128xi32, #tpu.memory_space<vmem>> -> memref<128xi32, #tpu.memory_space<vmem>>
      %dma_start3A_60 = arith.constant 0 : i32
      %dma_start3A_61 = arith.constant 0 : i32
      %dma_start3A_62 = tpu.memref_slice %arg11[%dma_start3A_60, %dma_start3A_61] : memref<10112x64xf32, #tpu.memory_space<vmem_shared>> -> memref<10112x64xf32, #tpu.memory_space<vmem_shared>>
      tpu.enqueue_indirect_dma source(%arg10 : memref<128x64xf32, #tpu.memory_space<vmem>>) target(%dma_start3A_62 : memref<10112x64xf32, #tpu.memory_space<vmem_shared>>) offsets(%dma_start3A_59 : memref<128xi32, #tpu.memory_space<vmem>>) semaphore(%run_scoped3A_56 : memref<!tpu.dma_semaphore, #tpu.memory_space<semaphore_mem>>) {add = true}
      %dma_wait3A_63 = arith.constant 0 : i32
      %dma_wait3A_64 = tpu.memref_slice %arg8[%run_scoped3A_50, %dma_wait3A_63] : memref<158x128xi32, #tpu.memory_space<vmem>> -> memref<1x128xi32, #tpu.memory_space<vmem>>
      %dma_wait3A_65 = tpu.memref_squeeze %dma_wait3A_64 : memref<1x128xi32, #tpu.memory_space<vmem>> -> memref<128xi32, #tpu.memory_space<vmem>>
      %dma_wait3A_66 = arith.constant 0 : i32
      %dma_wait3A_67 = arith.constant 0 : i32
      %dma_wait3A_68 = tpu.memref_slice %arg11[%dma_wait3A_66, %dma_wait3A_67] : memref<10112x64xf32, #tpu.memory_space<vmem_shared>> -> memref<10112x64xf32, #tpu.memory_space<vmem_shared>>
      tpu.wait_indirect_dma semaphore(%run_scoped3A_56 : memref<!tpu.dma_semaphore, #tpu.memory_space<semaphore_mem>>) src(%arg10 : memref<128x64xf32, #tpu.memory_space<vmem>>) dst(%dma_wait3A_68 : memref<10112x64xf32, #tpu.memory_space<vmem_shared>>)
      tpu.yield
    }) : () -> ()
    %barrier3A_51 = arith.constant 0 : index
    tpu.barrier barrier_id(%barrier3A_51)
    %mul3A_52 = arith.constant 632 : i32
    %mul3A_53 = arith.muli %arg1, %mul3A_52 : i32
    %mul3A_54 = arith.constant 632 : i32
    %mul3A_55 = arith.muli %arg1, %mul3A_54 : i32
    "tpu.region"() ({
      %run_scoped3A_56 = tpu.sem_alloc : memref<!tpu.dma_semaphore, #tpu.memory_space<semaphore_mem>>
      %dma_start3A_57 = arith.constant 0 : i32
      %dma_start3A_58 = arith.constant 0 : i32
      %dma_start3A_59 = tpu.memref_slice %arg6[%arg0, %dma_start3A_57, %dma_start3A_58] : memref<2x10112x64xf32, #tpu.memory_space<hbm>> -> memref<1x10112x64xf32, #tpu.memory_space<hbm>>
      %dma_start3A_60 = tpu.memref_squeeze %dma_start3A_59 : memref<1x10112x64xf32, #tpu.memory_space<hbm>> -> memref<10112x64xf32, #tpu.memory_space<hbm>>
      %dma_start3A_61 = arith.constant 0 : i32
      %dma_start3A_62 = tpu.memref_slice %dma_start3A_60[%mul3A_55, %dma_start3A_61] : memref<10112x64xf32, #tpu.memory_space<hbm>> -> memref<632x64xf32, #tpu.memory_space<hbm>>
      %dma_start3A_63 = arith.constant 0 : i32
      %dma_start3A_64 = tpu.memref_slice %arg11[%mul3A_53, %dma_start3A_63] : memref<10112x64xf32, #tpu.memory_space<vmem_shared>> -> memref<632x64xf32, #tpu.memory_space<vmem_shared>>
      tpu.enqueue_dma source(%dma_start3A_64 : memref<632x64xf32, #tpu.memory_space<vmem_shared>>) target(%dma_start3A_62 : memref<632x64xf32, #tpu.memory_space<hbm>>) target_semaphore(%run_scoped3A_56 : memref<!tpu.dma_semaphore, #tpu.memory_space<semaphore_mem>>)
      %dma_wait3A_65 = arith.constant 0 : i32
      %dma_wait3A_66 = arith.constant 0 : i32
      %dma_wait3A_67 = tpu.memref_slice %arg6[%arg0, %dma_wait3A_65, %dma_wait3A_66] : memref<2x10112x64xf32, #tpu.memory_space<hbm>> -> memref<1x10112x64xf32, #tpu.memory_space<hbm>>
      %dma_wait3A_68 = tpu.memref_squeeze %dma_wait3A_67 : memref<1x10112x64xf32, #tpu.memory_space<hbm>> -> memref<10112x64xf32, #tpu.memory_space<hbm>>
      %dma_wait3A_69 = arith.constant 0 : i32
      %dma_wait3A_70 = tpu.memref_slice %dma_wait3A_68[%mul3A_55, %dma_wait3A_69] : memref<10112x64xf32, #tpu.memory_space<hbm>> -> memref<632x64xf32, #tpu.memory_space<hbm>>
      %dma_wait3A_71 = arith.constant 0 : i32
      %dma_wait3A_72 = tpu.memref_slice %arg11[%mul3A_53, %dma_wait3A_71] : memref<10112x64xf32, #tpu.memory_space<vmem_shared>> -> memref<632x64xf32, #tpu.memory_space<vmem_shared>>
      tpu.wait_dma2 semaphore(%run_scoped3A_56 : memref<!tpu.dma_semaphore, #tpu.memory_space<semaphore_mem>>) src(%dma_wait3A_72 : memref<632x64xf32, #tpu.memory_space<vmem_shared>>) dst(%dma_wait3A_70 : memref<632x64xf32, #tpu.memory_space<hbm>>)
      tpu.yield
    }) : () -> ()
    return
  }
}

#map = affine_map<(d0, d1) -> (0, 0, 0)>
module attributes {stable_mosaic.version = 14 : i64} {
  func.func @body(%arg0: i32, %arg1: i32, %arg2: memref<2x10000x64xf32, #tpu.memory_space<hbm>>, %arg3: memref<16x158x128xi32, #tpu.memory_space<hbm>>, %arg4: memref<16x158x128xi32, #tpu.memory_space<hbm>>, %arg5: memref<2x10112x64xf32, #tpu.memory_space<hbm>>, %arg6: memref<2x10112x64xf32, #tpu.memory_space<hbm>>, %arg7: memref<158x128xi32, #tpu.memory_space<vmem>>, %arg8: memref<158x128xi32, #tpu.memory_space<vmem>>, %arg9: memref<128x64xf32, #tpu.memory_space<vmem>>, %arg10: memref<128x64xf32, #tpu.memory_space<vmem>>, %arg11: memref<10112x64xf32, #tpu.memory_space<vmem_shared>>, %arg12: memref<!tpu.dma_semaphore, #tpu.memory_space<semaphore_mem>>, %arg13: memref<!tpu.dma_semaphore, #tpu.memory_space<semaphore_mem>>) attributes {dimension_semantics = [#tpu.dimension_semantics<core_parallel>, #tpu.dimension_semantics<subcore_parallel>], iteration_bounds = array<i64: 2, 16>, scalar_prefetch = 0 : i64, scratch_operands = 7 : i64, tpu.core_type = #tpu.core_type<sc_vector_subcore>, window_params = [{transform_indices = #map}, {transform_indices = #map}, {transform_indices = #map}, {transform_indices = #map}, {transform_indices = #map}]} {
    "tpu.region"() ({
      %run_scoped3A_56 = tpu.sem_alloc : memref<!tpu.dma_semaphore, #tpu.memory_space<semaphore_mem>>
      %dma_start3A_57 = arith.constant 0 : i32
      %dma_start3A_58 = arith.constant 0 : i32
      %dma_start3A_59 = tpu.memref_slice %arg3[%arg1, %dma_start3A_57, %dma_start3A_58] : memref<16x158x128xi32, #tpu.memory_space<hbm>> -> memref<1x158x128xi32, #tpu.memory_space<hbm>>
      %dma_start3A_60 = tpu.memref_squeeze %dma_start3A_59 : memref<1x158x128xi32, #tpu.memory_space<hbm>> -> memref<158x128xi32, #tpu.memory_space<hbm>>
      %dma_start3A_61 = arith.constant 0 : i32
      %dma_start3A_62 = arith.constant 0 : i32
      %dma_start3A_63 = tpu.memref_slice %arg3[%arg1, %dma_start3A_61, %dma_start3A_62] : memref<16x158x128xi32, #tpu.memory_space<hbm>> -> memref<1x158x128xi32, #tpu.memory_space<hbm>>
      %dma_start3A_64 = tpu.memref_squeeze %dma_start3A_63 : memref<1x158x128xi32, #tpu.memory_space<hbm>> -> memref<158x128xi32, #tpu.memory_space<hbm>>
      tpu.enqueue_dma source(%dma_start3A_64 : memref<158x128xi32, #tpu.memory_space<hbm>>) target(%arg7 : memref<158x128xi32, #tpu.memory_space<vmem>>) target_semaphore(%run_scoped3A_56 : memref<!tpu.dma_semaphore, #tpu.memory_space<semaphore_mem>>)
      %dma_wait3A_65 = arith.constant 0 : i32
      %dma_wait3A_66 = arith.constant 0 : i32
      %dma_wait3A_67 = tpu.memref_slice %arg3[%arg1, %dma_wait3A_65, %dma_wait3A_66] : memref<16x158x128xi32, #tpu.memory_space<hbm>> -> memref<1x158x128xi32, #tpu.memory_space<hbm>>
      %dma_wait3A_68 = tpu.memref_squeeze %dma_wait3A_67 : memref<1x158x128xi32, #tpu.memory_space<hbm>> -> memref<158x128xi32, #tpu.memory_space<hbm>>
      %dma_wait3A_69 = arith.constant 0 : i32
      %dma_wait3A_70 = arith.constant 0 : i32
      %dma_wait3A_71 = tpu.memref_slice %arg3[%arg1, %dma_wait3A_69, %dma_wait3A_70] : memref<16x158x128xi32, #tpu.memory_space<hbm>> -> memref<1x158x128xi32, #tpu.memory_space<hbm>>
      %dma_wait3A_72 = tpu.memref_squeeze %dma_wait3A_71 : memref<1x158x128xi32, #tpu.memory_space<hbm>> -> memref<158x128xi32, #tpu.memory_space<hbm>>
      tpu.wait_dma2 semaphore(%run_scoped3A_56 : memref<!tpu.dma_semaphore, #tpu.memory_space<semaphore_mem>>) src(%dma_wait3A_72 : memref<158x128xi32, #tpu.memory_space<hbm>>) dst(%arg7 : memref<158x128xi32, #tpu.memory_space<vmem>>)
      tpu.yield
    }) : () -> ()
    "tpu.region"() ({
      %run_scoped3A_56 = tpu.sem_alloc : memref<!tpu.dma_semaphore, #tpu.memory_space<semaphore_mem>>
      %dma_start3A_57 = arith.constant 0 : i32
      %dma_start3A_58 = arith.constant 0 : i32
      %dma_start3A_59 = tpu.memref_slice %arg4[%arg1, %dma_start3A_57, %dma_start3A_58] : memref<16x158x128xi32, #tpu.memory_space<hbm>> -> memref<1x158x128xi32, #tpu.memory_space<hbm>>
      %dma_start3A_60 = tpu.memref_squeeze %dma_start3A_59 : memref<1x158x128xi32, #tpu.memory_space<hbm>> -> memref<158x128xi32, #tpu.memory_space<hbm>>
      %dma_start3A_61 = arith.constant 0 : i32
      %dma_start3A_62 = arith.constant 0 : i32
      %dma_start3A_63 = tpu.memref_slice %arg4[%arg1, %dma_start3A_61, %dma_start3A_62] : memref<16x158x128xi32, #tpu.memory_space<hbm>> -> memref<1x158x128xi32, #tpu.memory_space<hbm>>
      %dma_start3A_64 = tpu.memref_squeeze %dma_start3A_63 : memref<1x158x128xi32, #tpu.memory_space<hbm>> -> memref<158x128xi32, #tpu.memory_space<hbm>>
      tpu.enqueue_dma source(%dma_start3A_64 : memref<158x128xi32, #tpu.memory_space<hbm>>) target(%arg8 : memref<158x128xi32, #tpu.memory_space<vmem>>) target_semaphore(%run_scoped3A_56 : memref<!tpu.dma_semaphore, #tpu.memory_space<semaphore_mem>>)
      %dma_wait3A_65 = arith.constant 0 : i32
      %dma_wait3A_66 = arith.constant 0 : i32
      %dma_wait3A_67 = tpu.memref_slice %arg4[%arg1, %dma_wait3A_65, %dma_wait3A_66] : memref<16x158x128xi32, #tpu.memory_space<hbm>> -> memref<1x158x128xi32, #tpu.memory_space<hbm>>
      %dma_wait3A_68 = tpu.memref_squeeze %dma_wait3A_67 : memref<1x158x128xi32, #tpu.memory_space<hbm>> -> memref<158x128xi32, #tpu.memory_space<hbm>>
      %dma_wait3A_69 = arith.constant 0 : i32
      %dma_wait3A_70 = arith.constant 0 : i32
      %dma_wait3A_71 = tpu.memref_slice %arg4[%arg1, %dma_wait3A_69, %dma_wait3A_70] : memref<16x158x128xi32, #tpu.memory_space<hbm>> -> memref<1x158x128xi32, #tpu.memory_space<hbm>>
      %dma_wait3A_72 = tpu.memref_squeeze %dma_wait3A_71 : memref<1x158x128xi32, #tpu.memory_space<hbm>> -> memref<158x128xi32, #tpu.memory_space<hbm>>
      tpu.wait_dma2 semaphore(%run_scoped3A_56 : memref<!tpu.dma_semaphore, #tpu.memory_space<semaphore_mem>>) src(%dma_wait3A_72 : memref<158x128xi32, #tpu.memory_space<hbm>>) dst(%arg8 : memref<158x128xi32, #tpu.memory_space<vmem>>)
      tpu.yield
    }) : () -> ()
    %mul3A = arith.constant 632 : i32
    %mul3A_0 = arith.muli %arg1, %mul3A : i32
    %mul3A_1 = arith.constant 632 : i32
    %mul3A_2 = arith.muli %arg1, %mul3A_1 : i32
    "tpu.region"() ({
      %run_scoped3A_56 = tpu.sem_alloc : memref<!tpu.dma_semaphore, #tpu.memory_space<semaphore_mem>>
      %dma_start3A_57 = arith.constant 0 : i32
      %dma_start3A_58 = tpu.memref_slice %arg11[%mul3A_2, %dma_start3A_57] : memref<10112x64xf32, #tpu.memory_space<vmem_shared>> -> memref<632x64xf32, #tpu.memory_space<vmem_shared>>
      %dma_start3A_59 = arith.constant 0 : i32
      %dma_start3A_60 = arith.constant 0 : i32
      %dma_start3A_61 = tpu.memref_slice %arg5[%arg0, %dma_start3A_59, %dma_start3A_60] : memref<2x10112x64xf32, #tpu.memory_space<hbm>> -> memref<1x10112x64xf32, #tpu.memory_space<hbm>>
      %dma_start3A_62 = tpu.memref_squeeze %dma_start3A_61 : memref<1x10112x64xf32, #tpu.memory_space<hbm>> -> memref<10112x64xf32, #tpu.memory_space<hbm>>
      %dma_start3A_63 = arith.constant 0 : i32
      %dma_start3A_64 = tpu.memref_slice %dma_start3A_62[%mul3A_0, %dma_start3A_63] : memref<10112x64xf32, #tpu.memory_space<hbm>> -> memref<632x64xf32, #tpu.memory_space<hbm>>
      tpu.enqueue_dma source(%dma_start3A_64 : memref<632x64xf32, #tpu.memory_space<hbm>>) target(%dma_start3A_58 : memref<632x64xf32, #tpu.memory_space<vmem_shared>>) target_semaphore(%run_scoped3A_56 : memref<!tpu.dma_semaphore, #tpu.memory_space<semaphore_mem>>)
      %dma_wait3A_65 = arith.constant 0 : i32
      %dma_wait3A_66 = tpu.memref_slice %arg11[%mul3A_2, %dma_wait3A_65] : memref<10112x64xf32, #tpu.memory_space<vmem_shared>> -> memref<632x64xf32, #tpu.memory_space<vmem_shared>>
      %dma_wait3A_67 = arith.constant 0 : i32
      %dma_wait3A_68 = arith.constant 0 : i32
      %dma_wait3A_69 = tpu.memref_slice %arg5[%arg0, %dma_wait3A_67, %dma_wait3A_68] : memref<2x10112x64xf32, #tpu.memory_space<hbm>> -> memref<1x10112x64xf32, #tpu.memory_space<hbm>>
      %dma_wait3A_70 = tpu.memref_squeeze %dma_wait3A_69 : memref<1x10112x64xf32, #tpu.memory_space<hbm>> -> memref<10112x64xf32, #tpu.memory_space<hbm>>
      %dma_wait3A_71 = arith.constant 0 : i32
      %dma_wait3A_72 = tpu.memref_slice %dma_wait3A_70[%mul3A_0, %dma_wait3A_71] : memref<10112x64xf32, #tpu.memory_space<hbm>> -> memref<632x64xf32, #tpu.memory_space<hbm>>
      tpu.wait_dma2 semaphore(%run_scoped3A_56 : memref<!tpu.dma_semaphore, #tpu.memory_space<semaphore_mem>>) src(%dma_wait3A_72 : memref<632x64xf32, #tpu.memory_space<hbm>>) dst(%dma_wait3A_66 : memref<632x64xf32, #tpu.memory_space<vmem_shared>>)
      tpu.yield
    }) : () -> ()
    %barrier3A = arith.constant 0 : index
    tpu.barrier barrier_id(%barrier3A)
    %dma_start3A = arith.constant 0 : i32
    %dma_start3A_3 = arith.constant 0 : i32
    %dma_start3A_4 = tpu.memref_slice %arg7[%dma_start3A, %dma_start3A_3] : memref<158x128xi32, #tpu.memory_space<vmem>> -> memref<1x128xi32, #tpu.memory_space<vmem>>
    %dma_start3A_5 = tpu.memref_squeeze %dma_start3A_4 : memref<1x128xi32, #tpu.memory_space<vmem>> -> memref<128xi32, #tpu.memory_space<vmem>>
    %dma_start3A_6 = arith.constant 0 : i32
    %dma_start3A_7 = arith.constant 0 : i32
    %dma_start3A_8 = tpu.memref_slice %arg2[%arg0, %dma_start3A_6, %dma_start3A_7] : memref<2x10000x64xf32, #tpu.memory_space<hbm>> -> memref<1x10000x64xf32, #tpu.memory_space<hbm>>
    %dma_start3A_9 = tpu.memref_squeeze %dma_start3A_8 : memref<1x10000x64xf32, #tpu.memory_space<hbm>> -> memref<10000x64xf32, #tpu.memory_space<hbm>>
    %dma_start3A_10 = arith.constant 0 : i32
    %dma_start3A_11 = arith.constant 0 : i32
    %dma_start3A_12 = tpu.memref_slice %dma_start3A_9[%dma_start3A_10, %dma_start3A_11] : memref<10000x64xf32, #tpu.memory_space<hbm>> -> memref<10000x64xf32, #tpu.memory_space<hbm>>
    tpu.enqueue_indirect_dma source(%dma_start3A_12 : memref<10000x64xf32, #tpu.memory_space<hbm>>) target(%arg9 : memref<128x64xf32, #tpu.memory_space<vmem>>) offsets(%dma_start3A_5 : memref<128xi32, #tpu.memory_space<vmem>>) semaphore(%arg12 : memref<!tpu.dma_semaphore, #tpu.memory_space<semaphore_mem>>)
    %scan3A = arith.constant 0 : i32
    %scan3A_13 = arith.constant 0 : i32
    %scan3A_14 = arith.constant 78 : i32
    %scan3A_15 = arith.addi %scan3A_13, %scan3A_14 : i32
    %scan3A_16 = arith.constant 1 : i32
    scf.for %scan3A_56 = %scan3A_13 to %scan3A_15 step %scan3A_16  : i32 {
      %mul3A_57 = arith.constant 2 : i32
      %mul3A_58 = arith.muli %mul3A_57, %scan3A_56 : i32
      %add3A = arith.constant 1 : i32
      %add3A_59 = arith.addi %mul3A_58, %add3A : i32
      %dma_start3A_60 = arith.constant 0 : i32
      %dma_start3A_61 = tpu.memref_slice %arg7[%add3A_59, %dma_start3A_60] : memref<158x128xi32, #tpu.memory_space<vmem>> -> memref<1x128xi32, #tpu.memory_space<vmem>>
      %dma_start3A_62 = tpu.memref_squeeze %dma_start3A_61 : memref<1x128xi32, #tpu.memory_space<vmem>> -> memref<128xi32, #tpu.memory_space<vmem>>
      %dma_start3A_63 = arith.constant 0 : i32
      %dma_start3A_64 = arith.constant 0 : i32
      %dma_start3A_65 = tpu.memref_slice %arg2[%arg0, %dma_start3A_63, %dma_start3A_64] : memref<2x10000x64xf32, #tpu.memory_space<hbm>> -> memref<1x10000x64xf32, #tpu.memory_space<hbm>>
      %dma_start3A_66 = tpu.memref_squeeze %dma_start3A_65 : memref<1x10000x64xf32, #tpu.memory_space<hbm>> -> memref<10000x64xf32, #tpu.memory_space<hbm>>
      %dma_start3A_67 = arith.constant 0 : i32
      %dma_start3A_68 = arith.constant 0 : i32
      %dma_start3A_69 = tpu.memref_slice %dma_start3A_66[%dma_start3A_67, %dma_start3A_68] : memref<10000x64xf32, #tpu.memory_space<hbm>> -> memref<10000x64xf32, #tpu.memory_space<hbm>>
      tpu.enqueue_indirect_dma source(%dma_start3A_69 : memref<10000x64xf32, #tpu.memory_space<hbm>>) target(%arg10 : memref<128x64xf32, #tpu.memory_space<vmem>>) offsets(%dma_start3A_62 : memref<128xi32, #tpu.memory_space<vmem>>) semaphore(%arg13 : memref<!tpu.dma_semaphore, #tpu.memory_space<semaphore_mem>>)
      %dma_wait3A_70 = arith.constant 0 : i32
      %dma_wait3A_71 = tpu.memref_slice %arg7[%mul3A_58, %dma_wait3A_70] : memref<158x128xi32, #tpu.memory_space<vmem>> -> memref<1x128xi32, #tpu.memory_space<vmem>>
      %dma_wait3A_72 = tpu.memref_squeeze %dma_wait3A_71 : memref<1x128xi32, #tpu.memory_space<vmem>> -> memref<128xi32, #tpu.memory_space<vmem>>
      %dma_wait3A_73 = arith.constant 0 : i32
      %dma_wait3A_74 = arith.constant 0 : i32
      %dma_wait3A_75 = tpu.memref_slice %arg2[%arg0, %dma_wait3A_73, %dma_wait3A_74] : memref<2x10000x64xf32, #tpu.memory_space<hbm>> -> memref<1x10000x64xf32, #tpu.memory_space<hbm>>
      %dma_wait3A_76 = tpu.memref_squeeze %dma_wait3A_75 : memref<1x10000x64xf32, #tpu.memory_space<hbm>> -> memref<10000x64xf32, #tpu.memory_space<hbm>>
      %dma_wait3A_77 = arith.constant 0 : i32
      %dma_wait3A_78 = arith.constant 0 : i32
      %dma_wait3A_79 = tpu.memref_slice %dma_wait3A_76[%dma_wait3A_77, %dma_wait3A_78] : memref<10000x64xf32, #tpu.memory_space<hbm>> -> memref<10000x64xf32, #tpu.memory_space<hbm>>
      tpu.wait_indirect_dma semaphore(%arg12 : memref<!tpu.dma_semaphore, #tpu.memory_space<semaphore_mem>>) src(%dma_wait3A_79 : memref<10000x64xf32, #tpu.memory_space<hbm>>) dst(%arg9 : memref<128x64xf32, #tpu.memory_space<vmem>>)
      "tpu.region"() ({
        %run_scoped3A_106 = tpu.sem_alloc : memref<!tpu.dma_semaphore, #tpu.memory_space<semaphore_mem>>
        %dma_start3A_107 = arith.constant 0 : i32
        %dma_start3A_108 = tpu.memref_slice %arg8[%mul3A_58, %dma_start3A_107] : memref<158x128xi32, #tpu.memory_space<vmem>> -> memref<1x128xi32, #tpu.memory_space<vmem>>
        %dma_start3A_109 = tpu.memref_squeeze %dma_start3A_108 : memref<1x128xi32, #tpu.memory_space<vmem>> -> memref<128xi32, #tpu.memory_space<vmem>>
        %dma_start3A_110 = arith.constant 0 : i32
        %dma_start3A_111 = arith.constant 0 : i32
        %dma_start3A_112 = tpu.memref_slice %arg11[%dma_start3A_110, %dma_start3A_111] : memref<10112x64xf32, #tpu.memory_space<vmem_shared>> -> memref<10112x64xf32, #tpu.memory_space<vmem_shared>>
        tpu.enqueue_indirect_dma source(%arg9 : memref<128x64xf32, #tpu.memory_space<vmem>>) target(%dma_start3A_112 : memref<10112x64xf32, #tpu.memory_space<vmem_shared>>) offsets(%dma_start3A_109 : memref<128xi32, #tpu.memory_space<vmem>>) semaphore(%run_scoped3A_106 : memref<!tpu.dma_semaphore, #tpu.memory_space<semaphore_mem>>) {add = true}
        %dma_wait3A_113 = arith.constant 0 : i32
        %dma_wait3A_114 = tpu.memref_slice %arg8[%mul3A_58, %dma_wait3A_113] : memref<158x128xi32, #tpu.memory_space<vmem>> -> memref<1x128xi32, #tpu.memory_space<vmem>>
        %dma_wait3A_115 = tpu.memref_squeeze %dma_wait3A_114 : memref<1x128xi32, #tpu.memory_space<vmem>> -> memref<128xi32, #tpu.memory_space<vmem>>
        %dma_wait3A_116 = arith.constant 0 : i32
        %dma_wait3A_117 = arith.constant 0 : i32
        %dma_wait3A_118 = tpu.memref_slice %arg11[%dma_wait3A_116, %dma_wait3A_117] : memref<10112x64xf32, #tpu.memory_space<vmem_shared>> -> memref<10112x64xf32, #tpu.memory_space<vmem_shared>>
        tpu.wait_indirect_dma semaphore(%run_scoped3A_106 : memref<!tpu.dma_semaphore, #tpu.memory_space<semaphore_mem>>) src(%arg9 : memref<128x64xf32, #tpu.memory_space<vmem>>) dst(%dma_wait3A_118 : memref<10112x64xf32, #tpu.memory_space<vmem_shared>>)
        tpu.yield
      }) : () -> ()
      %add3A_80 = arith.constant 2 : i32
      %add3A_81 = arith.addi %mul3A_58, %add3A_80 : i32
      %dma_start3A_82 = arith.constant 0 : i32
      %dma_start3A_83 = tpu.memref_slice %arg7[%add3A_81, %dma_start3A_82] : memref<158x128xi32, #tpu.memory_space<vmem>> -> memref<1x128xi32, #tpu.memory_space<vmem>>
      %dma_start3A_84 = tpu.memref_squeeze %dma_start3A_83 : memref<1x128xi32, #tpu.memory_space<vmem>> -> memref<128xi32, #tpu.memory_space<vmem>>
      %dma_start3A_85 = arith.constant 0 : i32
      %dma_start3A_86 = arith.constant 0 : i32
      %dma_start3A_87 = tpu.memref_slice %arg2[%arg0, %dma_start3A_85, %dma_start3A_86] : memref<2x10000x64xf32, #tpu.memory_space<hbm>> -> memref<1x10000x64xf32, #tpu.memory_space<hbm>>
      %dma_start3A_88 = tpu.memref_squeeze %dma_start3A_87 : memref<1x10000x64xf32, #tpu.memory_space<hbm>> -> memref<10000x64xf32, #tpu.memory_space<hbm>>
      %dma_start3A_89 = arith.constant 0 : i32
      %dma_start3A_90 = arith.constant 0 : i32
      %dma_start3A_91 = tpu.memref_slice %dma_start3A_88[%dma_start3A_89, %dma_start3A_90] : memref<10000x64xf32, #tpu.memory_space<hbm>> -> memref<10000x64xf32, #tpu.memory_space<hbm>>
      tpu.enqueue_indirect_dma source(%dma_start3A_91 : memref<10000x64xf32, #tpu.memory_space<hbm>>) target(%arg9 : memref<128x64xf32, #tpu.memory_space<vmem>>) offsets(%dma_start3A_84 : memref<128xi32, #tpu.memory_space<vmem>>) semaphore(%arg12 : memref<!tpu.dma_semaphore, #tpu.memory_space<semaphore_mem>>)
      %add3A_92 = arith.constant 1 : i32
      %add3A_93 = arith.addi %mul3A_58, %add3A_92 : i32
      %dma_wait3A_94 = arith.constant 0 : i32
      %dma_wait3A_95 = tpu.memref_slice %arg7[%add3A_93, %dma_wait3A_94] : memref<158x128xi32, #tpu.memory_space<vmem>> -> memref<1x128xi32, #tpu.memory_space<vmem>>
      %dma_wait3A_96 = tpu.memref_squeeze %dma_wait3A_95 : memref<1x128xi32, #tpu.memory_space<vmem>> -> memref<128xi32, #tpu.memory_space<vmem>>
      %dma_wait3A_97 = arith.constant 0 : i32
      %dma_wait3A_98 = arith.constant 0 : i32
      %dma_wait3A_99 = tpu.memref_slice %arg2[%arg0, %dma_wait3A_97, %dma_wait3A_98] : memref<2x10000x64xf32, #tpu.memory_space<hbm>> -> memref<1x10000x64xf32, #tpu.memory_space<hbm>>
      %dma_wait3A_100 = tpu.memref_squeeze %dma_wait3A_99 : memref<1x10000x64xf32, #tpu.memory_space<hbm>> -> memref<10000x64xf32, #tpu.memory_space<hbm>>
      %dma_wait3A_101 = arith.constant 0 : i32
      %dma_wait3A_102 = arith.constant 0 : i32
      %dma_wait3A_103 = tpu.memref_slice %dma_wait3A_100[%dma_wait3A_101, %dma_wait3A_102] : memref<10000x64xf32, #tpu.memory_space<hbm>> -> memref<10000x64xf32, #tpu.memory_space<hbm>>
      tpu.wait_indirect_dma semaphore(%arg13 : memref<!tpu.dma_semaphore, #tpu.memory_space<semaphore_mem>>) src(%dma_wait3A_103 : memref<10000x64xf32, #tpu.memory_space<hbm>>) dst(%arg10 : memref<128x64xf32, #tpu.memory_space<vmem>>)
      %add3A_104 = arith.constant 1 : i32
      %add3A_105 = arith.addi %mul3A_58, %add3A_104 : i32
      "tpu.region"() ({
        %run_scoped3A_106 = tpu.sem_alloc : memref<!tpu.dma_semaphore, #tpu.memory_space<semaphore_mem>>
        %dma_start3A_107 = arith.constant 0 : i32
        %dma_start3A_108 = tpu.memref_slice %arg8[%add3A_105, %dma_start3A_107] : memref<158x128xi32, #tpu.memory_space<vmem>> -> memref<1x128xi32, #tpu.memory_space<vmem>>
        %dma_start3A_109 = tpu.memref_squeeze %dma_start3A_108 : memref<1x128xi32, #tpu.memory_space<vmem>> -> memref<128xi32, #tpu.memory_space<vmem>>
        %dma_start3A_110 = arith.constant 0 : i32
        %dma_start3A_111 = arith.constant 0 : i32
        %dma_start3A_112 = tpu.memref_slice %arg11[%dma_start3A_110, %dma_start3A_111] : memref<10112x64xf32, #tpu.memory_space<vmem_shared>> -> memref<10112x64xf32, #tpu.memory_space<vmem_shared>>
        tpu.enqueue_indirect_dma source(%arg10 : memref<128x64xf32, #tpu.memory_space<vmem>>) target(%dma_start3A_112 : memref<10112x64xf32, #tpu.memory_space<vmem_shared>>) offsets(%dma_start3A_109 : memref<128xi32, #tpu.memory_space<vmem>>) semaphore(%run_scoped3A_106 : memref<!tpu.dma_semaphore, #tpu.memory_space<semaphore_mem>>) {add = true}
        %dma_wait3A_113 = arith.constant 0 : i32
        %dma_wait3A_114 = tpu.memref_slice %arg8[%add3A_105, %dma_wait3A_113] : memref<158x128xi32, #tpu.memory_space<vmem>> -> memref<1x128xi32, #tpu.memory_space<vmem>>
        %dma_wait3A_115 = tpu.memref_squeeze %dma_wait3A_114 : memref<1x128xi32, #tpu.memory_space<vmem>> -> memref<128xi32, #tpu.memory_space<vmem>>
        %dma_wait3A_116 = arith.constant 0 : i32
        %dma_wait3A_117 = arith.constant 0 : i32
        %dma_wait3A_118 = tpu.memref_slice %arg11[%dma_wait3A_116, %dma_wait3A_117] : memref<10112x64xf32, #tpu.memory_space<vmem_shared>> -> memref<10112x64xf32, #tpu.memory_space<vmem_shared>>
        tpu.wait_indirect_dma semaphore(%run_scoped3A_106 : memref<!tpu.dma_semaphore, #tpu.memory_space<semaphore_mem>>) src(%arg10 : memref<128x64xf32, #tpu.memory_space<vmem>>) dst(%dma_wait3A_118 : memref<10112x64xf32, #tpu.memory_space<vmem_shared>>)
        tpu.yield
      }) : () -> ()
    }
    %scan3A_17 = arith.constant 78 : i32
    %dma_start3A_18 = arith.constant 157 : i32
    %dma_start3A_19 = arith.constant 0 : i32
    %dma_start3A_20 = tpu.memref_slice %arg7[%dma_start3A_18, %dma_start3A_19] : memref<158x128xi32, #tpu.memory_space<vmem>> -> memref<1x128xi32, #tpu.memory_space<vmem>>
    %dma_start3A_21 = tpu.memref_squeeze %dma_start3A_20 : memref<1x128xi32, #tpu.memory_space<vmem>> -> memref<128xi32, #tpu.memory_space<vmem>>
    %dma_start3A_22 = arith.constant 0 : i32
    %dma_start3A_23 = arith.constant 0 : i32
    %dma_start3A_24 = tpu.memref_slice %arg2[%arg0, %dma_start3A_22, %dma_start3A_23] : memref<2x10000x64xf32, #tpu.memory_space<hbm>> -> memref<1x10000x64xf32, #tpu.memory_space<hbm>>
    %dma_start3A_25 = tpu.memref_squeeze %dma_start3A_24 : memref<1x10000x64xf32, #tpu.memory_space<hbm>> -> memref<10000x64xf32, #tpu.memory_space<hbm>>
    %dma_start3A_26 = arith.constant 0 : i32
    %dma_start3A_27 = arith.constant 0 : i32
    %dma_start3A_28 = tpu.memref_slice %dma_start3A_25[%dma_start3A_26, %dma_start3A_27] : memref<10000x64xf32, #tpu.memory_space<hbm>> -> memref<10000x64xf32, #tpu.memory_space<hbm>>
    tpu.enqueue_indirect_dma source(%dma_start3A_28 : memref<10000x64xf32, #tpu.memory_space<hbm>>) target(%arg10 : memref<128x64xf32, #tpu.memory_space<vmem>>) offsets(%dma_start3A_21 : memref<128xi32, #tpu.memory_space<vmem>>) semaphore(%arg13 : memref<!tpu.dma_semaphore, #tpu.memory_space<semaphore_mem>>)
    %dma_wait3A = arith.constant 156 : i32
    %dma_wait3A_29 = arith.constant 0 : i32
    %dma_wait3A_30 = tpu.memref_slice %arg7[%dma_wait3A, %dma_wait3A_29] : memref<158x128xi32, #tpu.memory_space<vmem>> -> memref<1x128xi32, #tpu.memory_space<vmem>>
    %dma_wait3A_31 = tpu.memref_squeeze %dma_wait3A_30 : memref<1x128xi32, #tpu.memory_space<vmem>> -> memref<128xi32, #tpu.memory_space<vmem>>
    %dma_wait3A_32 = arith.constant 0 : i32
    %dma_wait3A_33 = arith.constant 0 : i32
    %dma_wait3A_34 = tpu.memref_slice %arg2[%arg0, %dma_wait3A_32, %dma_wait3A_33] : memref<2x10000x64xf32, #tpu.memory_space<hbm>> -> memref<1x10000x64xf32, #tpu.memory_space<hbm>>
    %dma_wait3A_35 = tpu.memref_squeeze %dma_wait3A_34 : memref<1x10000x64xf32, #tpu.memory_space<hbm>> -> memref<10000x64xf32, #tpu.memory_space<hbm>>
    %dma_wait3A_36 = arith.constant 0 : i32
    %dma_wait3A_37 = arith.constant 0 : i32
    %dma_wait3A_38 = tpu.memref_slice %dma_wait3A_35[%dma_wait3A_36, %dma_wait3A_37] : memref<10000x64xf32, #tpu.memory_space<hbm>> -> memref<10000x64xf32, #tpu.memory_space<hbm>>
    tpu.wait_indirect_dma semaphore(%arg12 : memref<!tpu.dma_semaphore, #tpu.memory_space<semaphore_mem>>) src(%dma_wait3A_38 : memref<10000x64xf32, #tpu.memory_space<hbm>>) dst(%arg9 : memref<128x64xf32, #tpu.memory_space<vmem>>)
    %run_scoped3A = arith.constant 156 : i32
    "tpu.region"() ({
      %run_scoped3A_56 = tpu.sem_alloc : memref<!tpu.dma_semaphore, #tpu.memory_space<semaphore_mem>>
      %dma_start3A_57 = arith.constant 0 : i32
      %dma_start3A_58 = tpu.memref_slice %arg8[%run_scoped3A, %dma_start3A_57] : memref<158x128xi32, #tpu.memory_space<vmem>> -> memref<1x128xi32, #tpu.memory_space<vmem>>
      %dma_start3A_59 = tpu.memref_squeeze %dma_start3A_58 : memref<1x128xi32, #tpu.memory_space<vmem>> -> memref<128xi32, #tpu.memory_space<vmem>>
      %dma_start3A_60 = arith.constant 0 : i32
      %dma_start3A_61 = arith.constant 0 : i32
      %dma_start3A_62 = tpu.memref_slice %arg11[%dma_start3A_60, %dma_start3A_61] : memref<10112x64xf32, #tpu.memory_space<vmem_shared>> -> memref<10112x64xf32, #tpu.memory_space<vmem_shared>>
      tpu.enqueue_indirect_dma source(%arg9 : memref<128x64xf32, #tpu.memory_space<vmem>>) target(%dma_start3A_62 : memref<10112x64xf32, #tpu.memory_space<vmem_shared>>) offsets(%dma_start3A_59 : memref<128xi32, #tpu.memory_space<vmem>>) semaphore(%run_scoped3A_56 : memref<!tpu.dma_semaphore, #tpu.memory_space<semaphore_mem>>) {add = true}
      %dma_wait3A_63 = arith.constant 0 : i32
      %dma_wait3A_64 = tpu.memref_slice %arg8[%run_scoped3A, %dma_wait3A_63] : memref<158x128xi32, #tpu.memory_space<vmem>> -> memref<1x128xi32, #tpu.memory_space<vmem>>
      %dma_wait3A_65 = tpu.memref_squeeze %dma_wait3A_64 : memref<1x128xi32, #tpu.memory_space<vmem>> -> memref<128xi32, #tpu.memory_space<vmem>>
      %dma_wait3A_66 = arith.constant 0 : i32
      %dma_wait3A_67 = arith.constant 0 : i32
      %dma_wait3A_68 = tpu.memref_slice %arg11[%dma_wait3A_66, %dma_wait3A_67] : memref<10112x64xf32, #tpu.memory_space<vmem_shared>> -> memref<10112x64xf32, #tpu.memory_space<vmem_shared>>
      tpu.wait_indirect_dma semaphore(%run_scoped3A_56 : memref<!tpu.dma_semaphore, #tpu.memory_space<semaphore_mem>>) src(%arg9 : memref<128x64xf32, #tpu.memory_space<vmem>>) dst(%dma_wait3A_68 : memref<10112x64xf32, #tpu.memory_space<vmem_shared>>)
      tpu.yield
    }) : () -> ()
    %dma_wait3A_39 = arith.constant 157 : i32
    %dma_wait3A_40 = arith.constant 0 : i32
    %dma_wait3A_41 = tpu.memref_slice %arg7[%dma_wait3A_39, %dma_wait3A_40] : memref<158x128xi32, #tpu.memory_space<vmem>> -> memref<1x128xi32, #tpu.memory_space<vmem>>
    %dma_wait3A_42 = tpu.memref_squeeze %dma_wait3A_41 : memref<1x128xi32, #tpu.memory_space<vmem>> -> memref<128xi32, #tpu.memory_space<vmem>>
    %dma_wait3A_43 = arith.constant 0 : i32
    %dma_wait3A_44 = arith.constant 0 : i32
    %dma_wait3A_45 = tpu.memref_slice %arg2[%arg0, %dma_wait3A_43, %dma_wait3A_44] : memref<2x10000x64xf32, #tpu.memory_space<hbm>> -> memref<1x10000x64xf32, #tpu.memory_space<hbm>>
    %dma_wait3A_46 = tpu.memref_squeeze %dma_wait3A_45 : memref<1x10000x64xf32, #tpu.memory_space<hbm>> -> memref<10000x64xf32, #tpu.memory_space<hbm>>
    %dma_wait3A_47 = arith.constant 0 : i32
    %dma_wait3A_48 = arith.constant 0 : i32
    %dma_wait3A_49 = tpu.memref_slice %dma_wait3A_46[%dma_wait3A_47, %dma_wait3A_48] : memref<10000x64xf32, #tpu.memory_space<hbm>> -> memref<10000x64xf32, #tpu.memory_space<hbm>>
    tpu.wait_indirect_dma semaphore(%arg13 : memref<!tpu.dma_semaphore, #tpu.memory_space<semaphore_mem>>) src(%dma_wait3A_49 : memref<10000x64xf32, #tpu.memory_space<hbm>>) dst(%arg10 : memref<128x64xf32, #tpu.memory_space<vmem>>)
    %run_scoped3A_50 = arith.constant 157 : i32
    "tpu.region"() ({
      %run_scoped3A_56 = tpu.sem_alloc : memref<!tpu.dma_semaphore, #tpu.memory_space<semaphore_mem>>
      %dma_start3A_57 = arith.constant 0 : i32
      %dma_start3A_58 = tpu.memref_slice %arg8[%run_scoped3A_50, %dma_start3A_57] : memref<158x128xi32, #tpu.memory_space<vmem>> -> memref<1x128xi32, #tpu.memory_space<vmem>>
      %dma_start3A_59 = tpu.memref_squeeze %dma_start3A_58 : memref<1x128xi32, #tpu.memory_space<vmem>> -> memref<128xi32, #tpu.memory_space<vmem>>
      %dma_start3A_60 = arith.constant 0 : i32
      %dma_start3A_61 = arith.constant 0 : i32
      %dma_start3A_62 = tpu.memref_slice %arg11[%dma_start3A_60, %dma_start3A_61] : memref<10112x64xf32, #tpu.memory_space<vmem_shared>> -> memref<10112x64xf32, #tpu.memory_space<vmem_shared>>
      tpu.enqueue_indirect_dma source(%arg10 : memref<128x64xf32, #tpu.memory_space<vmem>>) target(%dma_start3A_62 : memref<10112x64xf32, #tpu.memory_space<vmem_shared>>) offsets(%dma_start3A_59 : memref<128xi32, #tpu.memory_space<vmem>>) semaphore(%run_scoped3A_56 : memref<!tpu.dma_semaphore, #tpu.memory_space<semaphore_mem>>) {add = true}
      %dma_wait3A_63 = arith.constant 0 : i32
      %dma_wait3A_64 = tpu.memref_slice %arg8[%run_scoped3A_50, %dma_wait3A_63] : memref<158x128xi32, #tpu.memory_space<vmem>> -> memref<1x128xi32, #tpu.memory_space<vmem>>
      %dma_wait3A_65 = tpu.memref_squeeze %dma_wait3A_64 : memref<1x128xi32, #tpu.memory_space<vmem>> -> memref<128xi32, #tpu.memory_space<vmem>>
      %dma_wait3A_66 = arith.constant 0 : i32
      %dma_wait3A_67 = arith.constant 0 : i32
      %dma_wait3A_68 = tpu.memref_slice %arg11[%dma_wait3A_66, %dma_wait3A_67] : memref<10112x64xf32, #tpu.memory_space<vmem_shared>> -> memref<10112x64xf32, #tpu.memory_space<vmem_shared>>
      tpu.wait_indirect_dma semaphore(%run_scoped3A_56 : memref<!tpu.dma_semaphore, #tpu.memory_space<semaphore_mem>>) src(%arg10 : memref<128x64xf32, #tpu.memory_space<vmem>>) dst(%dma_wait3A_68 : memref<10112x64xf32, #tpu.memory_space<vmem_shared>>)
      tpu.yield
    }) : () -> ()
    %barrier3A_51 = arith.constant 0 : index
    tpu.barrier barrier_id(%barrier3A_51)
    %mul3A_52 = arith.constant 632 : i32
    %mul3A_53 = arith.muli %arg1, %mul3A_52 : i32
    %mul3A_54 = arith.constant 632 : i32
    %mul3A_55 = arith.muli %arg1, %mul3A_54 : i32
    "tpu.region"() ({
      %run_scoped3A_56 = tpu.sem_alloc : memref<!tpu.dma_semaphore, #tpu.memory_space<semaphore_mem>>
      %dma_start3A_57 = arith.constant 0 : i32
      %dma_start3A_58 = arith.constant 0 : i32
      %dma_start3A_59 = tpu.memref_slice %arg6[%arg0, %dma_start3A_57, %dma_start3A_58] : memref<2x10112x64xf32, #tpu.memory_space<hbm>> -> memref<1x10112x64xf32, #tpu.memory_space<hbm>>
      %dma_start3A_60 = tpu.memref_squeeze %dma_start3A_59 : memref<1x10112x64xf32, #tpu.memory_space<hbm>> -> memref<10112x64xf32, #tpu.memory_space<hbm>>
      %dma_start3A_61 = arith.constant 0 : i32
      %dma_start3A_62 = tpu.memref_slice %dma_start3A_60[%mul3A_55, %dma_start3A_61] : memref<10112x64xf32, #tpu.memory_space<hbm>> -> memref<632x64xf32, #tpu.memory_space<hbm>>
      %dma_start3A_63 = arith.constant 0 : i32
      %dma_start3A_64 = tpu.memref_slice %arg11[%mul3A_53, %dma_start3A_63] : memref<10112x64xf32, #tpu.memory_space<vmem_shared>> -> memref<632x64xf32, #tpu.memory_space<vmem_shared>>
      tpu.enqueue_dma source(%dma_start3A_64 : memref<632x64xf32, #tpu.memory_space<vmem_shared>>) target(%dma_start3A_62 : memref<632x64xf32, #tpu.memory_space<hbm>>) target_semaphore(%run_scoped3A_56 : memref<!tpu.dma_semaphore, #tpu.memory_space<semaphore_mem>>)
      %dma_wait3A_65 = arith.constant 0 : i32
      %dma_wait3A_66 = arith.constant 0 : i32
      %dma_wait3A_67 = tpu.memref_slice %arg6[%arg0, %dma_wait3A_65, %dma_wait3A_66] : memref<2x10112x64xf32, #tpu.memory_space<hbm>> -> memref<1x10112x64xf32, #tpu.memory_space<hbm>>
      %dma_wait3A_68 = tpu.memref_squeeze %dma_wait3A_67 : memref<1x10112x64xf32, #tpu.memory_space<hbm>> -> memref<10112x64xf32, #tpu.memory_space<hbm>>
      %dma_wait3A_69 = arith.constant 0 : i32
      %dma_wait3A_70 = tpu.memref_slice %dma_wait3A_68[%mul3A_55, %dma_wait3A_69] : memref<10112x64xf32, #tpu.memory_space<hbm>> -> memref<632x64xf32, #tpu.memory_space<hbm>>
      %dma_wait3A_71 = arith.constant 0 : i32
      %dma_wait3A_72 = tpu.memref_slice %arg11[%mul3A_53, %dma_wait3A_71] : memref<10112x64xf32, #tpu.memory_space<vmem_shared>> -> memref<632x64xf32, #tpu.memory_space<vmem_shared>>
      tpu.wait_dma2 semaphore(%run_scoped3A_56 : memref<!tpu.dma_semaphore, #tpu.memory_space<semaphore_mem>>) src(%dma_wait3A_72 : memref<632x64xf32, #tpu.memory_space<vmem_shared>>) dst(%dma_wait3A_70 : memref<632x64xf32, #tpu.memory_space<hbm>>)
      tpu.yield
    }) : () -> ()
    return
  }
}

module attributes {stable_mosaic.version = 14 : i64} {
  func.func @_mm_body(%arg0: memref<10000x128xf32, #tpu.memory_space<vmem>>, %arg1: memref<128x128xf32, #tpu.memory_space<vmem>>, %arg2: memref<2x10000x64xf32, #tpu.memory_space<vmem>>) attributes {dimension_semantics = [], scalar_prefetch = 0 : i64, scratch_operands = 0 : i64, tpu.core_type = #tpu.core_type<tc>} {
    %get3A = arith.constant 0 : index
    %get3A_0 = arith.constant 0 : index
    %get3A_1 = vector.load %arg0[%get3A, %get3A_0] : memref<10000x128xf32, #tpu.memory_space<vmem>>, vector<10000x128xf32>
    %get3A_2 = arith.constant 0 : index
    %get3A_3 = arith.constant 0 : index
    %get3A_4 = vector.load %arg1[%get3A_2, %get3A_3] : memref<128x128xf32, #tpu.memory_space<vmem>>, vector<128x128xf32>
    %dot_general3A = arith.constant dense<0.000000e+00> : vector<10000x128xf32>
    %dot_general3A_5 = tpu.matmul %get3A_1, %get3A_4, %dot_general3A {dimension_numbers = #tpu.dot_dimension_numbers<[1], [0], [0], [1], [0, 0, 1, 1], [], []>, transpose_lhs_hint = false} : vector<10000x128xf32>, vector<128x128xf32>, vector<10000x128xf32> -> vector<10000x128xf32>
    %slice3A = vector.extract_strided_slice %dot_general3A_5 {offsets = [0, 0], sizes = [10000, 64], strides = [1, 1]} : vector<10000x128xf32> to vector<10000x64xf32>
    %swap3A = arith.constant 0 : index
    %swap3A_6 = arith.constant 0 : index
    %swap3A_7 = arith.constant 0 : index
    %swap3A_8 = vector.load %arg2[%swap3A, %swap3A_6, %swap3A_7] : memref<2x10000x64xf32, #tpu.memory_space<vmem>>, vector<1x10000x64xf32>
    %swap3A_9 = vector.shape_cast %swap3A_8 : vector<1x10000x64xf32> to vector<10000x64xf32>
    %swap3A_10 = vector.shape_cast %slice3A : vector<10000x64xf32> to vector<1x10000x64xf32>
    tpu.vector_store %arg2[%swap3A, %swap3A_6, %swap3A_7], %swap3A_10 {strides = array<i32>} : memref<2x10000x64xf32, #tpu.memory_space<vmem>>, vector<1x10000x64xf32>,
    %slice3A_11 = vector.extract_strided_slice %dot_general3A_5 {offsets = [0, 64], sizes = [10000, 64], strides = [1, 1]} : vector<10000x128xf32> to vector<10000x64xf32>
    %swap3A_12 = arith.constant 1 : index
    %swap3A_13 = arith.constant 0 : index
    %swap3A_14 = arith.constant 0 : index
    %swap3A_15 = vector.load %arg2[%swap3A_12, %swap3A_13, %swap3A_14] : memref<2x10000x64xf32, #tpu.memory_space<vmem>>, vector<1x10000x64xf32>
    %swap3A_16 = vector.shape_cast %swap3A_15 : vector<1x10000x64xf32> to vector<10000x64xf32>
    %swap3A_17 = vector.shape_cast %slice3A_11 : vector<10000x64xf32> to vector<1x10000x64xf32>
    tpu.vector_store %arg2[%swap3A_12, %swap3A_13, %swap3A_14], %swap3A_17 {strides = array<i32>} : memref<2x10000x64xf32, #tpu.memory_space<vmem>>, vector<1x10000x64xf32>,
    return
  }
}

module attributes {stable_mosaic.version = 14 : i64} {
  func.func @_fuse_body(%arg0: memref<2x10112x64xf32, #tpu.memory_space<vmem>>, %arg1: memref<128x128xf32, #tpu.memory_space<vmem>>, %arg2: memref<2x10112x64xf32, #tpu.memory_space<vmem>>) attributes {dimension_semantics = [], scalar_prefetch = 0 : i64, scratch_operands = 0 : i64, tpu.core_type = #tpu.core_type<tc>} {
    %get3A = arith.constant 0 : index
    %get3A_0 = arith.constant 0 : index
    %get3A_1 = arith.constant 0 : index
    %get3A_2 = vector.load %arg0[%get3A, %get3A_0, %get3A_1] : memref<2x10112x64xf32, #tpu.memory_space<vmem>>, vector<1x10112x64xf32>
    %get3A_3 = vector.shape_cast %get3A_2 : vector<1x10112x64xf32> to vector<10112x64xf32>
    %get3A_4 = arith.constant 1 : index
    %get3A_5 = arith.constant 0 : index
    %get3A_6 = arith.constant 0 : index
    %get3A_7 = vector.load %arg0[%get3A_4, %get3A_5, %get3A_6] : memref<2x10112x64xf32, #tpu.memory_space<vmem>>, vector<1x10112x64xf32>
    %get3A_8 = vector.shape_cast %get3A_7 : vector<1x10112x64xf32> to vector<10112x64xf32>
    %concatenate3A = tpu.concatenate %get3A_3, %get3A_8 in 1 : vector<10112x64xf32>, vector<10112x64xf32> -> vector<10112x128xf32>
    %max3A = arith.constant 0.000000e+00 : f32
    %max3A_9 = vector.broadcast %max3A : f32 to vector<10112x128xf32>
    %max3A_10 = arith.maximumf %concatenate3A, %max3A_9 : vector<10112x128xf32>
    %get3A_11 = arith.constant 0 : index
    %get3A_12 = arith.constant 0 : index
    %get3A_13 = vector.load %arg1[%get3A_11, %get3A_12] : memref<128x128xf32, #tpu.memory_space<vmem>>, vector<128x128xf32>
    %dot_general3A = arith.constant dense<0.000000e+00> : vector<10112x128xf32>
    %dot_general3A_14 = tpu.matmul %max3A_10, %get3A_13, %dot_general3A {dimension_numbers = #tpu.dot_dimension_numbers<[1], [0], [0], [1], [0, 0, 1, 1], [], []>, transpose_lhs_hint = false} : vector<10112x128xf32>, vector<128x128xf32>, vector<10112x128xf32> -> vector<10112x128xf32>
    %slice3A = vector.extract_strided_slice %dot_general3A_14 {offsets = [0, 0], sizes = [10112, 64], strides = [1, 1]} : vector<10112x128xf32> to vector<10112x64xf32>
    %swap3A = arith.constant 0 : index
    %swap3A_15 = arith.constant 0 : index
    %swap3A_16 = arith.constant 0 : index
    %swap3A_17 = vector.load %arg2[%swap3A, %swap3A_15, %swap3A_16] : memref<2x10112x64xf32, #tpu.memory_space<vmem>>, vector<1x10112x64xf32>
    %swap3A_18 = vector.shape_cast %swap3A_17 : vector<1x10112x64xf32> to vector<10112x64xf32>
    %swap3A_19 = vector.shape_cast %slice3A : vector<10112x64xf32> to vector<1x10112x64xf32>
    tpu.vector_store %arg2[%swap3A, %swap3A_15, %swap3A_16], %swap3A_19 {strides = array<i32>} : memref<2x10112x64xf32, #tpu.memory_space<vmem>>, vector<1x10112x64xf32>,
    %slice3A_20 = vector.extract_strided_slice %dot_general3A_14 {offsets = [0, 64], sizes = [10112, 64], strides = [1, 1]} : vector<10112x128xf32> to vector<10112x64xf32>
    %swap3A_21 = arith.constant 1 : index
    %swap3A_22 = arith.constant 0 : index
    %swap3A_23 = arith.constant 0 : index
    %swap3A_24 = vector.load %arg2[%swap3A_21, %swap3A_22, %swap3A_23] : memref<2x10112x64xf32, #tpu.memory_space<vmem>>, vector<1x10112x64xf32>
    %swap3A_25 = vector.shape_cast %swap3A_24 : vector<1x10112x64xf32> to vector<10112x64xf32>
    %swap3A_26 = vector.shape_cast %slice3A_20 : vector<10112x64xf32> to vector<1x10112x64xf32>
    tpu.vector_store %arg2[%swap3A_21, %swap3A_22, %swap3A_23], %swap3A_26 {strides = array<i32>} : memref<2x10112x64xf32, #tpu.memory_space<vmem>>, vector<1x10112x64xf32>,
    return
  }
}

</mosaic_0001>

<sc_bundles>
// kernel: kernel.6.cloned.1.call-start
scs
__scs_entry_jumppad:
0x0: {  	(pc) =	sbr.rel $0x88, $3  }
0x1: {  	(tag) =	ssettag $0x0;
	lr =	simm.s32 $0x1  }
0x2: {  	[smem:$0x3F9B] =	sst lr;
	_ =	strace $0xD0000000  }
0x3: {  	_ = 	snop  }
0x4: {  	_ = 	snop  }
0x5: {  	_ = 	snop  }
0x6: {  	_ = 	snop  }
0x7: {  	_ = 	snop  }
__scs_overlays_trampoline_lowered:
0x8: {  	[smem:$0x3FAA] =	sst s0  }
0x9: {  	[smem:$0x3FAB] =	sst s1  }
0xa: {  	[smem:$0x3FAC] =	sst s2  }
0xb: {  	[smem:$0x3FAD] =	sst s3  }
0xc: {  	[smem:$0x3FAE] =	sst s4  }
0xd: {  	[smem:$0x3FAF] =	sst s5  }
0xe: {  	[smem:$0x3FB0] =	sst s6  }
0xf: {  	[smem:$0x3FB1] =	sst s7  }
0x10: {  	[smem:$0x3FB2] =	sst s8  }
0x11: {  	[smem:$0x3FB3] =	sst s9;
	s0 =	simm.s32 @!p0 $0x0  }
0x12: {  	s1 =	sld [smem:$0x3F99];
	s0 =	simm.s32 @p0 $0x1  }
0x13: {  	[smem:$0x3FB4] =	sst s0;
	s0 =	simm.s32 @!p1 $0x0  }
0x14: {  	s2 =	sld [smem:$0x3F98];
	s0 =	simm.s32 @p1 $0x1  }
0x15: {  	[smem:$0x3FB5] =	sst s0;
	s0 =	simm.s32 @!p2 $0x0  }
0x16: {  	s3 =	sld [smem:$0x3FDB];
	s0 =	simm.s32 @p2 $0x1  }
0x17: {  	s4 =	simm.s32 $0x1BF5;
	[smem:$0x3FB7] =	sst s0  }
0x18: {  	s0 =	sld [smem:$0x3F9A];
	_ =	swait.ge [sflag:s4], $0x0  }
0x19: {  	s7 =	sld [smem:$0x3F9B]  }
0x1a: {  	s8 =	sadd.s32 $0xFFFFE003, lr  }
0x1b: {  	s9 =	sadd.s32 $0xFFFFFEF7, lr;
	s5 =	simm.s32 $0xFFFFFFFF;
	p2 =	slt.u32 s8, $0xFFFFF086  }
0x1c: {  	p1 =	slt.u32 s9, $0xF7A;
	s5 =	simm.s32 @!p2 $0x0  }
0x1d: {  	s5 =	simm.s32 @p1 $0x1;
	p0 =	seq.s32 s7, s2  }
0x1e: {  	s7 =	smul.u32 @!p0 $0xF7A, s2;
	p2 =	seq.s32 @!p0 s5, $0x0  }
0x1f: {  	s9 =	smul.u32 $0xF7A, s1;
	s8 =	simm.s32 @!p0 $0x1BF5;
	p2 =	por !p2, p0  }
0x20: {  	[sflag:s8] =	ssyncset.s32 @!p0 $0xFFFFF086;
	s6 =	sadd.s32 @!p0 s3, s7;
	s7 =	simm.s32 @!p0 $0x108  }
0x21: {  	s3 =	sadd.s32 s3, s9;
	s6 =	sadd.s32 @!p0 $0x88, s6;
	s7 =	simm.s32 @p2 $0x1082  }
0x22: {  	[simem:s7], [sflag:s8] =	dma.local @!p0 [hbm:s6], $0xF7A  }
0x23: {  	s9 =	sor.u32 $0xD0000000, s2;
	s6 =	simm.s32 $0x108;
	_ =	swait.ge @!p0 [sflag:s8], $0x0  }
0x24: {  	s3 =	sadd.s32 $0x88, s3;
	s6 =	simm.s32 @!p1 $0x1082;
	[sflag:s4] =	ssyncset.s32 $0xFFFFF086  }
0x25: {  	[simem:s6], [sflag:s4] =	dma.local [hbm:s3], $0xF7A  }
0x26: {  	[smem:$0x3F9B] =	sst s1;
	(tag) =	ssettag s2;
	_ =	strace s9  }
0x27: {  	s1 =	sld [smem:$0x3FAB]  }
0x28: {  	s2 =	sld [smem:$0x3FAC]  }
0x29: {  	s4 =	sld [smem:$0x3FAE]  }
0x2a: {  	p0 =	seq.s32 s5, $0x0;
	s5 =	sld [smem:$0x3FAF]  }
0x2b: {  	s6 =	sld [smem:$0x3FB0]  }
0x2c: {  	s7 =	sld [smem:$0x3FB1]  }
0x2d: {  	s3 =	simm.s32 $0x108;
	s8 =	sld [smem:$0x3FB2]  }
0x2e: {  	s3 =	simm.s32 @!p0 $0x1082;
	s9 =	sld [smem:$0x3FB3]  }
0x2f: {  	lr =	sadd.s32 s0, s3;
	s0 =	sld [smem:$0x3FAA]  }
0x30: {  	s3 =	sld [smem:$0x3FAD]  }
0x31: {  	[smem:$0x3FB6] =	sst s10  }
0x32: {  	s10 =	sld [smem:$0x3FB4];
	_ =	sdelay $0x3  }
0x33: {  	p0 =	seq.s32 s10, $0x1;
	s10 =	sld [smem:$0x3FB6];
	_ =	sdelay $0x3  }
0x34: {  	[smem:$0x3FB6] =	sst s10  }
0x35: {  	s10 =	sld [smem:$0x3FB5];
	_ =	sdelay $0x3  }
0x36: {  	p1 =	seq.s32 s10, $0x1;
	s10 =	sld [smem:$0x3FB6];
	_ =	sdelay $0x3  }
0x37: {  	[smem:$0x3FB6] =	sst s10  }
0x38: {  	s10 =	sld [smem:$0x3FB7]  }
0x39: {  	_ = 	snop;
	(pc) =	sbr.ind lr, $3  }
0x3a: {  	_ = 	snop  }
0x3b: {  	_ = 	snop  }
0x3c: {  	p2 =	seq.s32 s10, $0x1;
	s10 =	sld [smem:$0x3FB6]  }
0x3d: {  	_ =	shalt  }
0x3e: {  	_ =	shalt  }
0x3f: {  	_ =	shalt  }
0x40: {  	_ =	shalt  }
0x41: {  	_ =	shalt  }
0x42: {  	_ =	shalt  }
0x43: {  	_ =	shalt  }
0x44: {  	_ =	shalt  }
0x45: {  	_ =	shalt  }
0x46: {  	_ =	shalt  }
0x47: {  	_ =	shalt  }
0x48: {  	_ =	shalt  }
0x49: {  	_ =	shalt  }
0x4a: {  	_ =	shalt  }
0x4b: {  	_ =	shalt  }
0x4c: {  	_ =	shalt  }
0x4d: {  	_ =	shalt  }
0x4e: {  	_ =	shalt  }
0x4f: {  	_ =	shalt  }
0x50: {  	_ =	shalt  }
0x51: {  	_ =	shalt  }
0x52: {  	_ =	shalt  }
0x53: {  	_ =	shalt  }
0x54: {  	_ =	shalt  }
0x55: {  	_ =	shalt  }
0x56: {  	_ =	shalt  }
0x57: {  	_ =	shalt  }
0x58: {  	_ =	shalt  }
0x59: {  	_ =	shalt  }
0x5a: {  	_ =	shalt  }
0x5b: {  	_ =	shalt  }
0x5c: {  	_ =	shalt  }
0x5d: {  	_ =	shalt  }
0x5e: {  	_ =	shalt  }
0x5f: {  	_ =	shalt  }
0x60: {  	_ =	shalt  }
0x61: {  	_ =	shalt  }
0x62: {  	_ =	shalt  }
0x63: {  	_ =	shalt  }
0x64: {  	_ =	shalt  }
0x65: {  	_ =	shalt  }
0x66: {  	_ =	shalt  }
0x67: {  	_ =	shalt  }
0x68: {  	_ =	shalt  }
0x69: {  	_ =	shalt  }
0x6a: {  	_ =	shalt  }
0x6b: {  	_ =	shalt  }
0x6c: {  	_ =	shalt  }
0x6d: {  	_ =	shalt  }
0x6e: {  	_ =	shalt  }
0x6f: {  	_ =	shalt  }
0x70: {  	_ =	shalt  }
0x71: {  	_ =	shalt  }
0x72: {  	_ =	shalt  }
0x73: {  	_ =	shalt  }
0x74: {  	_ =	shalt  }
0x75: {  	_ =	shalt  }
0x76: {  	_ =	shalt  }
0x77: {  	_ =	shalt  }
0x78: {  	_ =	shalt  }
0x79: {  	_ =	shalt  }
0x7a: {  	_ =	shalt  }
0x7b: {  	_ =	shalt  }
0x7c: {  	_ =	shalt  }
0x7d: {  	_ =	shalt  }
0x7e: {  	_ =	shalt  }
0x7f: {  	_ =	shalt  }
0x80: {  	_ =	shalt  }
0x81: {  	_ =	shalt  }
0x82: {  	_ =	shalt  }
0x83: {  	_ =	shalt  }
0x84: {  	_ =	shalt  }
0x85: {  	_ =	shalt  }
0x86: {  	_ =	shalt  }
0x87: {  	_ =	shalt  }
.Lfunc_end0:
.L_simem_size_0:
called_computation_lowered:
.L_overlay_start_0:
0x88: {  	s2 =	sld [smem:$0x3FD9]  }
0x89: {  	s3 =	sld [smem:$0x3FFE];
	_ =	sdelay $0x1  }
0x8a: {  	s1 =	srdreg.scid  }
0x8b: {  	s0 =	sand.u32 $0x1, s1  }
0x8c: {  	s17 =	sshll.u32 s0, $0xA;
	s2 =	sadd.s32 s3, s2  }
0x8d: {  	s2 =	sadd.s32 s2, s17  }
0x8e: {  	[smem:$0x3FC2] =	sst s2  }
0x8f: {  	_ = 	snop  }
0x90: {  	s2 =	sld [smem:$0x3FD0];
	(tm) =	ssettm $0x1  }
0x91: {  	s18 =	sld [smem:$0x3FFB];
	_ =	sdelay $0x3  }
0x92: {  	_ =	strace s18  }
0x93: {  	s3 =	sld [smem:$0x3FFC];
	_ =	sdelay $0x3  }
0x94: {  	_ =	strace s3  }
0x95: {  	s3 =	sld [smem:$0x3FFD];
	_ =	sdelay $0x3  }
0x96: {  	_ =	strace s3  }
0x97: {  	_ =	strace $0x8FFFFFFF  }
0x98: {  	s19 =	sld [smem:$0x3FDB];
	_ =	sdelay $0x1  }
0x99: {  	s4 =	simm.s32 $_scs_section_size  }
0x9a: {  	s5 =	simm.s32 $_size__tile_overlayer_lowered;
	s6 =	simm.s32 $_tile_overlayer_lowered  }
0x9b: {  	s22 =	simm.s32 $0x1BFF;
	s21 =	sshll.u32 s6, $0x1;
	s3 =	sadd.s32 s4, s19  }
0x9c: {  	s7 =	simm.s32 $0x0;
	s20 =	sshll.u32 s5, $0x1;
	s5 =	sadd.s32 s21, s3  }
0x9d: {  	[timem:s7], [sflag:s22] =	dma.local [hbm:s5], s20  }
0x9e: {  	_ =	swait.ge [sflag:s22], s20  }
0x9f: {  	s4 =	ssub.s32 $0x0, s20;
	[sflag:s22] =	ssyncset.done $0x0  }
0xa0: {  	[sflag:s22] =	ssyncadd.s32 s4;
	_ =	sdelay $0x1  }
0xa1: {  	s23 =	simm.s32 $0x1B8B  }
0xa2: {  	_ =	swait.ge [sflag:s23], $0x1  }
0xa3: {  	[sflag:s23] =	ssyncset.done $0x0  }
0xa4: {  	s25 =	simm.s32 $0x1B8E;
	s24 =	sld [smem:$0x3FFE];
	[sflag:s23] =	ssyncadd.s32 $0xFFFFFFFF  }
0xa5: {  	s26 =	simm.s32 $execute0_lowered;
	[smem:$0x3FD2] =	sst s25  }
0xa6: {  	s5 =	sshll.u32 s26, $0x1;
	_ =	strace $0x80000046;
	[dreg:$0x1] =	wrdreg $0xFFFFFFFF  }
0xa7: {  	s28 =	simm.s32 $_size_execute0_lowered;
	s3 =	sadd.s32 s3, s5;
	[dreg:$0x0] =	wrdreg $0x0  }
0xa8: {  	s5 =	sshll.u32 s28, $0x1;
	[dreg:$0x2] =	wrdreg s3  }
0xa9: {  	[dreg:$0x3] =	wrdreg s5  }
0xaa: {  	[dreg:$0x4] =	wrdreg $0xC0  }
0xab: {  	_ =	task [dreg:s7], $0x5FFFF  }
0xac: {  	[dreg:$0x1] =	wrdreg $0xFFFFFFFF  }
0xad: {  	[dreg:$0x0] =	wrdreg $0x60  }
0xae: {  	[dreg:$0x2] =	wrdreg s2  }
0xaf: {  	[dreg:$0x3] =	wrdreg s24  }
0xb0: {  	[dreg:$0x4] =	wrdreg $0xDE000  }
0xb1: {  	[dreg:$0x5] =	wrdreg $0x9  }
0xb2: {  	_ =	task.clear_ibuf [dreg:s7], $0x6FFFF;
	_ =	strace $0x90000046  }
0xb3: {  	s29 =	simm.s32 $0x9;
	_ =	strace $0x80000048  }
0xb4: {  	_ =	swait.ge [sflag:s29], $0x1  }
0xb5: {  	[sflag:s29] =	ssyncadd.s32 $0xFFFFFFFF  }
0xb6: {  	_ =	strace $0x90000048  }
0xb7: {  	_ =	sfence  }
0xb8: {  	s30 =	sld [smem:$0x0];
	_ =	sdelay $0x2  }
0xb9: {  	s31 =	sshll.u32 s1, $0xD;
	s1 =	sshrl.u32 s1, $0x2  }
0xba: {  	s3 =	sand.u32 $0x4000, s31;
	s1 =	sadd.s32 s1, s30  }
0xbb: {  	s0 =	sor.u32 s3, s0;
	s1 =	sshll.u32 s1, $0x11  }
0xbc: {  	s0 =	sor.u32 s1, s0  }
0xbd: {  	s0 =	sadd.s32 $0x8F2B, s0  }
0xbe: {  	[sflag:s0] =	ssyncadd.remote.s32 $0x1  }
0xbf: {  	_ =	sfence.sel $0xFFFF  }
0xc0: {  	[dreg:$0x0] =	wrdreg $0xFFFFFFFF;
	(pc) =	sbr.abs _section_cstart, $3  }
0xc1: {  	[dreg:$0x1] =	wrdreg $0xFFFFFFFF  }
0xc2: {  	_ =	task.clear_ibuf [dreg:s7], $0x2FFFF;
	_ =	strace $0x9FFFFFFF  }
0xc3: {  	(tm) =	ssettm $0x7FFFFFFF  }
tec
execute0_lowered:
.L_overlay_start_1:
0x0: {  	(tag) =	ssettag $0x1  }
0x1: {  	s6 =	rddreg [dreg:$0x0]  }
0x2: {  	s4 =	rddreg [dreg:$0x1]  }
0x3: {  	s2 =	rddreg [dreg:$0x2]  }
0x4: {  	s0 =	rddreg [dreg:$0x3]  }
0x5: {  	s3 =	simm.s32 $0x0;
	s1 =	stileid.u32;
	s5 =	srdreg.scid  }
0x6: {  	s14 =	simm.s32 $0x9E00;
	s15 =	simm.s32 $0xBE00;
	s16 =	simm.s32 $0x1  }
0x7: {  	s17 =	simm.s32 $0x2;
	s18 =	simm.s32 $0x4E80;
	s19 =	simm.s32 $0x9D00  }
0x8: {  	s20 =	simm.s32 $0x9D80;
	[smem:$0x7FF] =	sst s3;
	s7 =	smul.u32 $0x9E0, s1  }
0x9: {  	s5 =	sand.u32 $0x1, s5;
	s11 =	smul.u32 $0x9E00, s1;
	s31 =	sshll.u32 s1, $0x6  }
0xa: {  	_ =	strace $0x80000047;
	s8 =	smul.u32 $0x13C00, s5;
	s9 =	ssub.s32 $0x2, s5  }
0xb: {  	s30 =	smul.u32 $0x13880, s5;
	s7 =	sadd.s32 s7, s4;
	s10 =	sshrl.u32 s9, $0x1  }
0xc: {  	s12 =	sadd.s32 s11, s2;
	s21 =	sshrl.u32 s11, $0x3;
	s11 =	sor.u32 $0x1C03, s31  }
0xd: {  	s8 =	sadd.s32 s8, s4;
	s9 =	ssub.s32 s9, s10;
	s4 =	sadd.s32 $0x32800, s7  }
0xe: {  	s5 =	sadd.s32 $0x28A00, s7;
	s6 =	sadd.s32 s6, s30;
	s12 =	sshrl.u32 s12, $0x3  }
0xf: {  	s13 =	sadd.s32 $0x1200, s8;
	s22 =	sadd.s32 $0x3C600, s8;
	s7 =	smax.u32 s9, $0x1  }
0x10: {  	s8 =	simm.s32 $0x3;
	s9 =	simm.s32 $0x4F00;
	s10 =	sadd.s32 s21, s13  }
0x11: {  	s13 =	simm.s32 $0x80;
	s21 =	sadd.s32 s21, s22;
	s22 =	simm.s32 $0x0  }
.LBB2_1:
0x12: {  	[tilespmem:s3], [sflag:$0x3] =	stream.linear.gather [hbm4b:s4+s3], $0x4F00, $0x38;
	[tilespmem:$0x17C00] =	vst v63  }
0x13: {  	_ =	swait.ge [sflag:s8], $0x4F00  }
0x14: {  	[sflag:s8] =	ssyncset.done $0x0  }
0x15: {  	[sflag:s8] =	ssyncadd.s32 $0xFFFFB100  }
0x16: {  	[tilespmem:s9], [sflag:$0x3] =	stream.linear.gather [hbm4b:s5+s3], $0x4F00, $0x38;
	[tilespmem:$0x17C00] =	vst v63  }
0x17: {  	_ =	swait.ge [sflag:s8], $0x4F00  }
0x18: {  	[sflag:s8] =	ssyncset.done $0x0  }
0x19: {  	[sflag:s8] =	ssyncadd.s32 $0xFFFFB100  }
0x1a: {  	[spmem:s12], [sflag:s11] =	dma.local [hbm:s10], $0x13C0  }
0x1b: {  	_ =	swait.ge [sflag:s8], $0x13C0  }
0x1c: {  	[sflag:s8] =	ssyncset.done $0x0  }
0x1d: {  	[sflag:s8] =	ssyncadd.s32 $0xFFFFEC40  }
0x1e: {  	[bflag:$0x0] =	sbarrier.arrive $0xFFFF  }
0x1f: {  	[tilespmem:s14], [sflag:$0x1] =	stream.indirect.gather [hbm4b:s6+s13], $0x40, s3, s13, $0xb8;
	[tilespmem:$0x17C00] =	vst v63  }
0x20: {  	s23 =	simm.s32 $0x80  }
0x21: {  	[tilespmem:s15], [sflag:$0x2] =	stream.indirect.gather [hbm4b:s6+s13], $0x40, s23, s13, $0xb8;
	[tilespmem:$0x17C00] =	vst v63  }
0x22: {  	_ =	swait.ge [sflag:s16], $0x2000  }
0x23: {  	[sflag:s16] =	ssyncset.done $0x0  }
0x24: {  	s29 =	simm.s32 $0x4F00;
	[sflag:s16] =	ssyncadd.s32 $0xFFFFE000  }
0x25: {  	[spmem:s2] =	stream.indirect.scatter.add.f32 [tilespmem:s14], [sflag:$0x3], $0x40, s29, s13, $0xb8;
	[tilespmem:$0x17C00] =	vst v63  }
0x26: {  	_ =	swait.ge [sflag:s8], $0x2000  }
0x27: {  	[sflag:s8] =	ssyncset.done $0x0  }
0x28: {  	s30 =	simm.s32 $0x100;
	[sflag:s8] =	ssyncadd.s32 $0xFFFFE000  }
0x29: {  	[tilespmem:s14], [sflag:$0x1] =	stream.indirect.gather [hbm4b:s6+s13], $0x40, s30, s13, $0xb8;
	[tilespmem:$0x17C00] =	vst v63  }
0x2a: {  	_ =	swait.ge [sflag:s17], $0x2000  }
0x2b: {  	[sflag:s17] =	ssyncset.done $0x0  }
0x2c: {  	s31 =	simm.s32 $0x4F80;
	[sflag:s17] =	ssyncadd.s32 $0xFFFFE000  }
0x2d: {  	[spmem:s2] =	stream.indirect.scatter.add.f32 [tilespmem:s15], [sflag:$0x3], $0x40, s31, s13, $0xb8;
	[tilespmem:$0x17C00] =	vst v63  }
0x2e: {  	_ =	swait.ge [sflag:s8], $0x2000  }
0x2f: {  	s24 =	simm.s32 $0x800;
	s23 =	simm.s32 $0x100;
	[sflag:s8] =	ssyncset.done $0x0  }
.LBB2_2:
0x30: {  	s25 =	sadd.s32 $0x80, s23  }
0x31: {  	[sflag:s8] =	ssyncadd.s32 $0xFFFFE000;
	s26 =	smov.u32 s24;
	s28 =	sadd.s32 $0x400, s24  }
0x32: {  	[tilespmem:s15], [sflag:$0x2] =	stream.indirect.gather [hbm4b:s6+s13], $0x40, s25, s13, $0xb8;
	[tilespmem:$0x17C00] =	vst v63  }
0x33: {  	p0 =	sne.s32 s24, $0x13400;
	_ =	swait.ge [sflag:s16], $0x2000  }
0x34: {  	[sflag:s16] =	ssyncset.done $0x0  }
0x35: {  	s24 =	sadd.s32 $0x4F00, s23;
	[sflag:s16] =	ssyncadd.s32 $0xFFFFE000  }
0x36: {  	[spmem:s2] =	stream.indirect.scatter.add.f32 [tilespmem:s14], [sflag:$0x3], $0x40, s24, s13, $0xb8;
	[tilespmem:$0x17C00] =	vst v63  }
0x37: {  	_ =	swait.ge [sflag:s8], $0x2000  }
0x38: {  	[sflag:s8] =	ssyncset.done $0x0  }
0x39: {  	s24 =	sadd.s32 $0x100, s23;
	[sflag:s8] =	ssyncadd.s32 $0xFFFFE000  }
0x3a: {  	[tilespmem:s14], [sflag:$0x1] =	stream.indirect.gather [hbm4b:s6+s13], $0x40, s24, s13, $0xb8;
	[tilespmem:$0x17C00] =	vst v63  }
0x3b: {  	_ =	swait.ge [sflag:s17], $0x2000  }
.Ltmp0:
0x3c: {  	[sflag:s17] =	ssyncset.done $0x0;
	(pc) =	sbr.rel @p0 .LBB2_2-.Ltmp0, $4  }
0x3d: {  	s23 =	sadd.s32 $0x4F80, s23;
	[sflag:s17] =	ssyncadd.s32 $0xFFFFE000  }
0x3e: {  	[spmem:s2] =	stream.indirect.scatter.add.f32 [tilespmem:s15], [sflag:$0x3], $0x40, s23, s13, $0xb8;
	[tilespmem:$0x17C00] =	vst v63  }
0x3f: {  	_ =	swait.ge [sflag:s8], $0x2000  }
0x40: {  	s24 =	smov.u32 s28;
	s23 =	sshra.s32 s26, $0x2;
	[sflag:s8] =	ssyncset.done $0x0  }
0x41: {  	s24 =	sadd.s32 $0x80, s23;
	[sflag:s8] =	ssyncadd.s32 $0xFFFFE000  }
0x42: {  	[tilespmem:s15], [sflag:$0x2] =	stream.indirect.gather [hbm4b:s6+s13], $0x40, s24, s13, $0xb8;
	[tilespmem:$0x17C00] =	vst v63  }
0x43: {  	_ =	swait.ge [sflag:s16], $0x2000  }
0x44: {  	[sflag:s16] =	ssyncset.done $0x0  }
0x45: {  	s29 =	sadd.s32 $0x4F00, s23;
	[sflag:s16] =	ssyncadd.s32 $0xFFFFE000  }
0x46: {  	[spmem:s2] =	stream.indirect.scatter.add.f32 [tilespmem:s14], [sflag:$0x3], $0x40, s29, s13, $0xb8;
	[tilespmem:$0x17C00] =	vst v63  }
0x47: {  	_ =	swait.ge [sflag:s8], $0x2000  }
0x48: {  	[sflag:s8] =	ssyncset.done $0x0  }
0x49: {  	s30 =	sadd.s32 $0x100, s23;
	[sflag:s8] =	ssyncadd.s32 $0xFFFFE000  }
0x4a: {  	[tilespmem:s14], [sflag:$0x1] =	stream.indirect.gather [hbm4b:s6+s13], $0x40, s30, s13, $0xb8;
	[tilespmem:$0x17C00] =	vst v63  }
0x4b: {  	_ =	swait.ge [sflag:s17], $0x2000  }
0x4c: {  	[sflag:s17] =	ssyncset.done $0x0  }
0x4d: {  	s31 =	sadd.s32 $0x4F80, s23;
	[sflag:s17] =	ssyncadd.s32 $0xFFFFE000  }
0x4e: {  	[spmem:s2] =	stream.indirect.scatter.add.f32 [tilespmem:s15], [sflag:$0x3], $0x40, s31, s13, $0xb8;
	[tilespmem:$0x17C00] =	vst v63  }
0x4f: {  	_ =	swait.ge [sflag:s8], $0x2000  }
0x50: {  	[sflag:s8] =	ssyncset.done $0x0  }
0x51: {  	[sflag:s8] =	ssyncadd.s32 $0xFFFFE000  }
0x52: {  	[tilespmem:s15], [sflag:$0x2] =	stream.indirect.gather [hbm4b:s6+s13], $0x40, s18, s13, $0xb8;
	[tilespmem:$0x17C00] =	vst v63  }
0x53: {  	_ =	swait.ge [sflag:s16], $0x2000  }
0x54: {  	[sflag:s16] =	ssyncset.done $0x0  }
0x55: {  	[sflag:s16] =	ssyncadd.s32 $0xFFFFE000  }
0x56: {  	[spmem:s2] =	stream.indirect.scatter.add.f32 [tilespmem:s14], [sflag:$0x3], $0x40, s19, s13, $0xb8;
	[tilespmem:$0x17C00] =	vst v63  }
0x57: {  	_ =	swait.ge [sflag:s8], $0x2000  }
0x58: {  	[sflag:s8] =	ssyncset.done $0x0  }
0x59: {  	[sflag:s8] =	ssyncadd.s32 $0xFFFFE000  }
0x5a: {  	_ =	swait.ge [sflag:s17], $0x2000  }
0x5b: {  	[sflag:s17] =	ssyncset.done $0x0  }
0x5c: {  	[sflag:s17] =	ssyncadd.s32 $0xFFFFE000  }
0x5d: {  	[spmem:s2] =	stream.indirect.scatter.add.f32 [tilespmem:s15], [sflag:$0x3], $0x40, s20, s13, $0xb8;
	[tilespmem:$0x17C00] =	vst v63  }
0x5e: {  	_ =	swait.ge [sflag:s8], $0x2000  }
0x5f: {  	s22 =	sadd.s32 $0x1, s22;
	[sflag:s8] =	ssyncset.done $0x0  }
0x60: {  	p0 =	sne.s32 s22, s7;
	[sflag:s8] =	ssyncadd.s32 $0xFFFFE000  }
.Ltmp1:
0x61: {  	[bflag:$0x0] =	sbarrier.arrive $0xFFFF;
	(pc) =	sbr.rel @p0 .LBB2_1-.Ltmp1, $4  }
0x62: {  	[hbm:s21], [sflag:s11] =	dma.local [spmem:s12], $0x13C0  }
0x63: {  	_ =	swait.ge [sflag:s8], $0x13C0  }
0x64: {  	[sflag:s8] =	ssyncset.done $0x0  }
0x65: {  	[sflag:s8] =	ssyncadd.s32 $0xFFFFEC40  }
0x66: {  	_ =	sfence.sel $0x180000  }
0x67: {  	[bflag:$0x0] =	sbarrier.arrive $0xFFFF  }
0x68: {  	p0 =	sne.s32 s1, $0x0;
	_ =	strace $0x90000047  }
0x69: {  	s0 =	sadd.s32 @!p0 $0x100000, s0;
	[bflag:$0x2] =	sbarrier.arrive $0xFFFF  }
0x6a: {  	[sflag:s0] =	ssyncadd.tile.s32 @!p0 $0x1;
	_ =	shalt  }
.Lfunc_end2:
_tile_overlayer_lowered:
.L_overlay_start_2:
0x6b: {  	(tag) =	ssettag $0x2  }
0x6c: {  	s0 =	rddreg [dreg:$0x0];
	s2 =	stileid.u32  }
0x6d: {  	s1 =	rddreg [dreg:$0x1];
	p0 =	sne.s32 s2, $0x0  }
0x6e: {  	s3 =	rddreg [dreg:$0x2];
	[bflag:$0x3] =	sbarrier.arrive $0xFFFF;
	s2 =	simm.s32 @!p0 $0x1C03  }
0x6f: {  	[timem:s3], [sflag:s2] =	dma.local @!p0 [hbm:s0], s1  }
0x70: {  	s0 =	simm.s32 @!p0 $0x3  }
0x71: {  	_ =	swait.ge @!p0 [sflag:s0], s1  }
0x72: {  	s1 =	ssub.s32 @!p0 $0x0, s1;
	[sflag:s0] =	ssyncset.done @!p0 $0x0  }
0x73: {  	[sflag:s0] =	ssyncadd.s32 @!p0 s1  }
0x74: {  	[bflag:$0x3] =	sbarrier.arrive $0xFFFF  }
0x75: {  	_ =	shalt  }

// kernel: kernel.9.cloned.1.call-start
scs
__scs_entry_jumppad:
0x0: {  	(pc) =	sbr.rel $0x88, $3  }
0x1: {  	(tag) =	ssettag $0x0;
	lr =	simm.s32 $0x1  }
0x2: {  	[smem:$0x3F9B] =	sst lr;
	_ =	strace $0xD0000000  }
0x3: {  	_ = 	snop  }
0x4: {  	_ = 	snop  }
0x5: {  	_ = 	snop  }
0x6: {  	_ = 	snop  }
0x7: {  	_ = 	snop  }
__scs_overlays_trampoline_lowered:
0x8: {  	[smem:$0x3FAA] =	sst s0  }
0x9: {  	[smem:$0x3FAB] =	sst s1  }
0xa: {  	[smem:$0x3FAC] =	sst s2  }
0xb: {  	[smem:$0x3FAD] =	sst s3  }
0xc: {  	[smem:$0x3FAE] =	sst s4  }
0xd: {  	[smem:$0x3FAF] =	sst s5  }
0xe: {  	[smem:$0x3FB0] =	sst s6  }
0xf: {  	[smem:$0x3FB1] =	sst s7  }
0x10: {  	[smem:$0x3FB2] =	sst s8  }
0x11: {  	[smem:$0x3FB3] =	sst s9;
	s0 =	simm.s32 @!p0 $0x0  }
0x12: {  	s1 =	sld [smem:$0x3F99];
	s0 =	simm.s32 @p0 $0x1  }
0x13: {  	[smem:$0x3FB4] =	sst s0;
	s0 =	simm.s32 @!p1 $0x0  }
0x14: {  	s2 =	sld [smem:$0x3F98];
	s0 =	simm.s32 @p1 $0x1  }
0x15: {  	[smem:$0x3FB5] =	sst s0;
	s0 =	simm.s32 @!p2 $0x0  }
0x16: {  	s3 =	sld [smem:$0x3FDB];
	s0 =	simm.s32 @p2 $0x1  }
0x17: {  	s4 =	simm.s32 $0x1BF5;
	[smem:$0x3FB7] =	sst s0  }
0x18: {  	s0 =	sld [smem:$0x3F9A];
	_ =	swait.ge [sflag:s4], $0x0  }
0x19: {  	s7 =	sld [smem:$0x3F9B]  }
0x1a: {  	s8 =	sadd.s32 $0xFFFFE003, lr  }
0x1b: {  	s9 =	sadd.s32 $0xFFFFFEF7, lr;
	s5 =	simm.s32 $0xFFFFFFFF;
	p2 =	slt.u32 s8, $0xFFFFF086  }
0x1c: {  	p1 =	slt.u32 s9, $0xF7A;
	s5 =	simm.s32 @!p2 $0x0  }
0x1d: {  	s5 =	simm.s32 @p1 $0x1;
	p0 =	seq.s32 s7, s2  }
0x1e: {  	s7 =	smul.u32 @!p0 $0xF7A, s2;
	p2 =	seq.s32 @!p0 s5, $0x0  }
0x1f: {  	s9 =	smul.u32 $0xF7A, s1;
	s8 =	simm.s32 @!p0 $0x1BF5;
	p2 =	por !p2, p0  }
0x20: {  	[sflag:s8] =	ssyncset.s32 @!p0 $0xFFFFF086;
	s6 =	sadd.s32 @!p0 s3, s7;
	s7 =	simm.s32 @!p0 $0x108  }
0x21: {  	s3 =	sadd.s32 s3, s9;
	s6 =	sadd.s32 @!p0 $0x88, s6;
	s7 =	simm.s32 @p2 $0x1082  }
0x22: {  	[simem:s7], [sflag:s8] =	dma.local @!p0 [hbm:s6], $0xF7A  }
0x23: {  	s9 =	sor.u32 $0xD0000000, s2;
	s6 =	simm.s32 $0x108;
	_ =	swait.ge @!p0 [sflag:s8], $0x0  }
0x24: {  	s3 =	sadd.s32 $0x88, s3;
	s6 =	simm.s32 @!p1 $0x1082;
	[sflag:s4] =	ssyncset.s32 $0xFFFFF086  }
0x25: {  	[simem:s6], [sflag:s4] =	dma.local [hbm:s3], $0xF7A  }
0x26: {  	[smem:$0x3F9B] =	sst s1;
	(tag) =	ssettag s2;
	_ =	strace s9  }
0x27: {  	s1 =	sld [smem:$0x3FAB]  }
0x28: {  	s2 =	sld [smem:$0x3FAC]  }
0x29: {  	s4 =	sld [smem:$0x3FAE]  }
0x2a: {  	p0 =	seq.s32 s5, $0x0;
	s5 =	sld [smem:$0x3FAF]  }
0x2b: {  	s6 =	sld [smem:$0x3FB0]  }
0x2c: {  	s7 =	sld [smem:$0x3FB1]  }
0x2d: {  	s3 =	simm.s32 $0x108;
	s8 =	sld [smem:$0x3FB2]  }
0x2e: {  	s3 =	simm.s32 @!p0 $0x1082;
	s9 =	sld [smem:$0x3FB3]  }
0x2f: {  	lr =	sadd.s32 s0, s3;
	s0 =	sld [smem:$0x3FAA]  }
0x30: {  	s3 =	sld [smem:$0x3FAD]  }
0x31: {  	[smem:$0x3FB6] =	sst s10  }
0x32: {  	s10 =	sld [smem:$0x3FB4];
	_ =	sdelay $0x3  }
0x33: {  	p0 =	seq.s32 s10, $0x1;
	s10 =	sld [smem:$0x3FB6];
	_ =	sdelay $0x3  }
0x34: {  	[smem:$0x3FB6] =	sst s10  }
0x35: {  	s10 =	sld [smem:$0x3FB5];
	_ =	sdelay $0x3  }
0x36: {  	p1 =	seq.s32 s10, $0x1;
	s10 =	sld [smem:$0x3FB6];
	_ =	sdelay $0x3  }
0x37: {  	[smem:$0x3FB6] =	sst s10  }
0x38: {  	s10 =	sld [smem:$0x3FB7]  }
0x39: {  	_ = 	snop;
	(pc) =	sbr.ind lr, $3  }
0x3a: {  	_ = 	snop  }
0x3b: {  	_ = 	snop  }
0x3c: {  	p2 =	seq.s32 s10, $0x1;
	s10 =	sld [smem:$0x3FB6]  }
0x3d: {  	_ =	shalt  }
0x3e: {  	_ =	shalt  }
0x3f: {  	_ =	shalt  }
0x40: {  	_ =	shalt  }
0x41: {  	_ =	shalt  }
0x42: {  	_ =	shalt  }
0x43: {  	_ =	shalt  }
0x44: {  	_ =	shalt  }
0x45: {  	_ =	shalt  }
0x46: {  	_ =	shalt  }
0x47: {  	_ =	shalt  }
0x48: {  	_ =	shalt  }
0x49: {  	_ =	shalt  }
0x4a: {  	_ =	shalt  }
0x4b: {  	_ =	shalt  }
0x4c: {  	_ =	shalt  }
0x4d: {  	_ =	shalt  }
0x4e: {  	_ =	shalt  }
0x4f: {  	_ =	shalt  }
0x50: {  	_ =	shalt  }
0x51: {  	_ =	shalt  }
0x52: {  	_ =	shalt  }
0x53: {  	_ =	shalt  }
0x54: {  	_ =	shalt  }
0x55: {  	_ =	shalt  }
0x56: {  	_ =	shalt  }
0x57: {  	_ =	shalt  }
0x58: {  	_ =	shalt  }
0x59: {  	_ =	shalt  }
0x5a: {  	_ =	shalt  }
0x5b: {  	_ =	shalt  }
0x5c: {  	_ =	shalt  }
0x5d: {  	_ =	shalt  }
0x5e: {  	_ =	shalt  }
0x5f: {  	_ =	shalt  }
0x60: {  	_ =	shalt  }
0x61: {  	_ =	shalt  }
0x62: {  	_ =	shalt  }
0x63: {  	_ =	shalt  }
0x64: {  	_ =	shalt  }
0x65: {  	_ =	shalt  }
0x66: {  	_ =	shalt  }
0x67: {  	_ =	shalt  }
0x68: {  	_ =	shalt  }
0x69: {  	_ =	shalt  }
0x6a: {  	_ =	shalt  }
0x6b: {  	_ =	shalt  }
0x6c: {  	_ =	shalt  }
0x6d: {  	_ =	shalt  }
0x6e: {  	_ =	shalt  }
0x6f: {  	_ =	shalt  }
0x70: {  	_ =	shalt  }
0x71: {  	_ =	shalt  }
0x72: {  	_ =	shalt  }
0x73: {  	_ =	shalt  }
0x74: {  	_ =	shalt  }
0x75: {  	_ =	shalt  }
0x76: {  	_ =	shalt  }
0x77: {  	_ =	shalt  }
0x78: {  	_ =	shalt  }
0x79: {  	_ =	shalt  }
0x7a: {  	_ =	shalt  }
0x7b: {  	_ =	shalt  }
0x7c: {  	_ =	shalt  }
0x7d: {  	_ =	shalt  }
0x7e: {  	_ =	shalt  }
0x7f: {  	_ =	shalt  }
0x80: {  	_ =	shalt  }
0x81: {  	_ =	shalt  }
0x82: {  	_ =	shalt  }
0x83: {  	_ =	shalt  }
0x84: {  	_ =	shalt  }
0x85: {  	_ =	shalt  }
0x86: {  	_ =	shalt  }
0x87: {  	_ =	shalt  }
.Lfunc_end0:
.L_simem_size_0:
called_computation.1_lowered:
.L_overlay_start_0:
0x88: {  	s2 =	sld [smem:$0x3FD9]  }
0x89: {  	s3 =	sld [smem:$0x3FFE];
	_ =	sdelay $0x1  }
0x8a: {  	s1 =	srdreg.scid  }
0x8b: {  	s0 =	sand.u32 $0x1, s1  }
0x8c: {  	s16 =	sshll.u32 s0, $0xA;
	s2 =	sadd.s32 s3, s2  }
0x8d: {  	s2 =	sadd.s32 s2, s16  }
0x8e: {  	[smem:$0x3FC2] =	sst s2  }
0x8f: {  	_ = 	snop  }
0x90: {  	(tm) =	ssettm $0x1  }
0x91: {  	s17 =	sld [smem:$0x3FFB];
	_ =	sdelay $0x3  }
0x92: {  	_ =	strace s17  }
0x93: {  	s2 =	sld [smem:$0x3FFC];
	_ =	sdelay $0x3  }
0x94: {  	_ =	strace s2  }
0x95: {  	s2 =	sld [smem:$0x3FFD];
	_ =	sdelay $0x3  }
0x96: {  	_ =	strace s2  }
0x97: {  	_ =	strace $0x8FFFFFFF  }
0x98: {  	s18 =	sld [smem:$0x3FDB];
	_ =	sdelay $0x1  }
0x99: {  	s19 =	simm.s32 $_scs_section_size  }
0x9a: {  	s4 =	simm.s32 $_size__tile_overlayer_lowered;
	s5 =	simm.s32 $_tile_overlayer_lowered  }
0x9b: {  	s22 =	simm.s32 $0x1BFF;
	s21 =	sshll.u32 s5, $0x1;
	s2 =	sadd.s32 s19, s18  }
0x9c: {  	s6 =	simm.s32 $0x0;
	s20 =	sshll.u32 s4, $0x1;
	s4 =	sadd.s32 s21, s2  }
0x9d: {  	[timem:s6], [sflag:s22] =	dma.local [hbm:s4], s20  }
0x9e: {  	_ =	swait.ge [sflag:s22], s20  }
0x9f: {  	s3 =	ssub.s32 $0x0, s20;
	[sflag:s22] =	ssyncset.done $0x0  }
0xa0: {  	[sflag:s22] =	ssyncadd.s32 s3;
	_ =	sdelay $0x1  }
0xa1: {  	s23 =	simm.s32 $0x1B8B  }
0xa2: {  	_ =	swait.ge [sflag:s23], $0x1  }
0xa3: {  	[sflag:s23] =	ssyncset.done $0x0  }
0xa4: {  	s25 =	simm.s32 $0x1B8E;
	s24 =	sld [smem:$0x3FFE];
	[sflag:s23] =	ssyncadd.s32 $0xFFFFFFFF  }
0xa5: {  	s26 =	simm.s32 $execute0_lowered;
	[smem:$0x3FD2] =	sst s25  }
0xa6: {  	s4 =	sshll.u32 s26, $0x1;
	_ =	strace $0x80000049;
	[dreg:$0x1] =	wrdreg $0xFFFFFFFF  }
0xa7: {  	s28 =	simm.s32 $_size_execute0_lowered;
	s2 =	sadd.s32 s2, s4;
	[dreg:$0x0] =	wrdreg $0x0  }
0xa8: {  	s4 =	sshll.u32 s28, $0x1;
	[dreg:$0x2] =	wrdreg s2  }
0xa9: {  	[dreg:$0x3] =	wrdreg s4  }
0xaa: {  	[dreg:$0x4] =	wrdreg $0xC0  }
0xab: {  	_ =	task [dreg:s6], $0x5FFFF  }
0xac: {  	[dreg:$0x1] =	wrdreg $0xFFFFFFFF  }
0xad: {  	[dreg:$0x0] =	wrdreg $0x60  }
0xae: {  	[dreg:$0x2] =	wrdreg s24  }
0xaf: {  	[dreg:$0x3] =	wrdreg $0xDE000  }
0xb0: {  	[dreg:$0x4] =	wrdreg $0x9  }
0xb1: {  	_ =	task.clear_ibuf [dreg:s6], $0x5FFFF;
	_ =	strace $0x90000049  }
0xb2: {  	s29 =	simm.s32 $0x9;
	_ =	strace $0x8000004B  }
0xb3: {  	_ =	swait.ge [sflag:s29], $0x1  }
0xb4: {  	[sflag:s29] =	ssyncadd.s32 $0xFFFFFFFF  }
0xb5: {  	_ =	strace $0x9000004B  }
0xb6: {  	_ =	sfence  }
0xb7: {  	s30 =	sld [smem:$0x0];
	_ =	sdelay $0x2  }
0xb8: {  	s31 =	sshll.u32 s1, $0xD;
	s1 =	sshrl.u32 s1, $0x2  }
0xb9: {  	s3 =	sand.u32 $0x4000, s31;
	s1 =	sadd.s32 s1, s30  }
0xba: {  	s0 =	sor.u32 s3, s0;
	s1 =	sshll.u32 s1, $0x11  }
0xbb: {  	s0 =	sor.u32 s1, s0  }
0xbc: {  	s0 =	sadd.s32 $0x8F2B, s0  }
0xbd: {  	[sflag:s0] =	ssyncadd.remote.s32 $0x1  }
0xbe: {  	_ =	sfence.sel $0xFFFF  }
0xbf: {  	[dreg:$0x0] =	wrdreg $0xFFFFFFFF;
	(pc) =	sbr.abs _section_cstart, $3  }
0xc0: {  	[dreg:$0x1] =	wrdreg $0xFFFFFFFF  }
0xc1: {  	_ =	task.clear_ibuf [dreg:s6], $0x2FFFF;
	_ =	strace $0x9FFFFFFF  }
0xc2: {  	(tm) =	ssettm $0x7FFFFFFF  }
0xc3: {  	_ =	shalt  }
tec
execute0_lowered:
.L_overlay_start_1:
0x0: {  	(tag) =	ssettag $0x1  }
0x1: {  	s4 =	rddreg [dreg:$0x0]  }
0x2: {  	s2 =	rddreg [dreg:$0x1]  }
0x3: {  	s0 =	rddreg [dreg:$0x2]  }
0x4: {  	s1 =	stileid.u32;
	s5 =	srdreg.scid  }
0x5: {  	s3 =	simm.s32 $0x0;
	s13 =	simm.s32 $0x80;
	s14 =	simm.s32 $0x9E00  }
0x6: {  	s15 =	simm.s32 $0xBE00;
	s16 =	simm.s32 $0x1;
	s17 =	simm.s32 $0x2  }
0x7: {  	s18 =	simm.s32 $0x4E80;
	s19 =	simm.s32 $0x9D00;
	s6 =	smul.u32 $0x9E0, s1  }
0x8: {  	s20 =	simm.s32 $0x9D80;
	s5 =	sand.u32 $0x1, s5;
	s9 =	smul.u32 $0x9E00, s1  }
0x9: {  	[smem:$0x7FF] =	sst s3;
	s11 =	sshll.u32 s1, $0x6;
	s7 =	smul.u32 $0x13C00, s5  }
0xa: {  	s5 =	ssub.s32 $0x2, s5;
	_ =	strace $0x8000004A;
	s11 =	sor.u32 $0x1C03, s11  }
0xb: {  	s8 =	sshrl.u32 s5, $0x1;
	s6 =	sadd.s32 s6, s4;
	s12 =	sadd.s32 s9, s2  }
0xc: {  	s21 =	sshrl.u32 s9, $0x3;
	s9 =	simm.s32 $0x4F00;
	s7 =	sadd.s32 s7, s4  }
0xd: {  	s8 =	ssub.s32 s5, s8;
	s4 =	sadd.s32 $0x32800, s6;
	s5 =	sadd.s32 $0x28A00, s6  }
0xe: {  	s12 =	sshrl.u32 s12, $0x3;
	s10 =	sadd.s32 $0x63E00, s7;
	s6 =	sadd.s32 $0x1200, s7  }
0xf: {  	s22 =	sadd.s32 $0x3C600, s7;
	s7 =	smax.u32 s8, $0x1;
	s8 =	simm.s32 $0x3  }
0x10: {  	s10 =	sadd.s32 s21, s10;
	s21 =	sadd.s32 s21, s22;
	s22 =	simm.s32 $0x0  }
.LBB2_1:
0x11: {  	[tilespmem:s3], [sflag:$0x3] =	stream.linear.gather [hbm4b:s4+s3], $0x4F00, $0x38;
	[tilespmem:$0x17C00] =	vst v63  }
0x12: {  	_ =	swait.ge [sflag:s8], $0x4F00  }
0x13: {  	[sflag:s8] =	ssyncset.done $0x0  }
0x14: {  	[sflag:s8] =	ssyncadd.s32 $0xFFFFB100  }
0x15: {  	[tilespmem:s9], [sflag:$0x3] =	stream.linear.gather [hbm4b:s5+s3], $0x4F00, $0x38;
	[tilespmem:$0x17C00] =	vst v63  }
0x16: {  	_ =	swait.ge [sflag:s8], $0x4F00  }
0x17: {  	[sflag:s8] =	ssyncset.done $0x0  }
0x18: {  	[sflag:s8] =	ssyncadd.s32 $0xFFFFB100  }
0x19: {  	[spmem:s12], [sflag:s11] =	dma.local [hbm:s10], $0x13C0  }
0x1a: {  	_ =	swait.ge [sflag:s8], $0x13C0  }
0x1b: {  	[sflag:s8] =	ssyncset.done $0x0  }
0x1c: {  	[sflag:s8] =	ssyncadd.s32 $0xFFFFEC40  }
0x1d: {  	[bflag:$0x0] =	sbarrier.arrive $0xFFFF  }
0x1e: {  	[tilespmem:s14], [sflag:$0x1] =	stream.indirect.gather [hbm4b:s6+s13], $0x40, s3, s13, $0xb8;
	[tilespmem:$0x17C00] =	vst v63  }
0x1f: {  	s23 =	simm.s32 $0x80  }
0x20: {  	[tilespmem:s15], [sflag:$0x2] =	stream.indirect.gather [hbm4b:s6+s13], $0x40, s23, s13, $0xb8;
	[tilespmem:$0x17C00] =	vst v63  }
0x21: {  	_ =	swait.ge [sflag:s16], $0x2000  }
0x22: {  	[sflag:s16] =	ssyncset.done $0x0  }
0x23: {  	s29 =	simm.s32 $0x4F00;
	[sflag:s16] =	ssyncadd.s32 $0xFFFFE000  }
0x24: {  	[spmem:s2] =	stream.indirect.scatter.add.f32 [tilespmem:s14], [sflag:$0x3], $0x40, s29, s13, $0xb8;
	[tilespmem:$0x17C00] =	vst v63  }
0x25: {  	_ =	swait.ge [sflag:s8], $0x2000  }
0x26: {  	[sflag:s8] =	ssyncset.done $0x0  }
0x27: {  	s30 =	simm.s32 $0x100;
	[sflag:s8] =	ssyncadd.s32 $0xFFFFE000  }
0x28: {  	[tilespmem:s14], [sflag:$0x1] =	stream.indirect.gather [hbm4b:s6+s13], $0x40, s30, s13, $0xb8;
	[tilespmem:$0x17C00] =	vst v63  }
0x29: {  	_ =	swait.ge [sflag:s17], $0x2000  }
0x2a: {  	[sflag:s17] =	ssyncset.done $0x0  }
0x2b: {  	s31 =	simm.s32 $0x4F80;
	[sflag:s17] =	ssyncadd.s32 $0xFFFFE000  }
0x2c: {  	[spmem:s2] =	stream.indirect.scatter.add.f32 [tilespmem:s15], [sflag:$0x3], $0x40, s31, s13, $0xb8;
	[tilespmem:$0x17C00] =	vst v63  }
0x2d: {  	_ =	swait.ge [sflag:s8], $0x2000  }
0x2e: {  	s24 =	simm.s32 $0x800;
	s23 =	simm.s32 $0x100;
	[sflag:s8] =	ssyncset.done $0x0  }
.LBB2_2:
0x2f: {  	s25 =	sadd.s32 $0x80, s23  }
0x30: {  	[sflag:s8] =	ssyncadd.s32 $0xFFFFE000;
	s26 =	smov.u32 s24;
	s28 =	sadd.s32 $0x400, s24  }
0x31: {  	[tilespmem:s15], [sflag:$0x2] =	stream.indirect.gather [hbm4b:s6+s13], $0x40, s25, s13, $0xb8;
	[tilespmem:$0x17C00] =	vst v63  }
0x32: {  	p0 =	sne.s32 s24, $0x13400;
	_ =	swait.ge [sflag:s16], $0x2000  }
0x33: {  	[sflag:s16] =	ssyncset.done $0x0  }
0x34: {  	s24 =	sadd.s32 $0x4F00, s23;
	[sflag:s16] =	ssyncadd.s32 $0xFFFFE000  }
0x35: {  	[spmem:s2] =	stream.indirect.scatter.add.f32 [tilespmem:s14], [sflag:$0x3], $0x40, s24, s13, $0xb8;
	[tilespmem:$0x17C00] =	vst v63  }
0x36: {  	_ =	swait.ge [sflag:s8], $0x2000  }
0x37: {  	[sflag:s8] =	ssyncset.done $0x0  }
0x38: {  	s24 =	sadd.s32 $0x100, s23;
	[sflag:s8] =	ssyncadd.s32 $0xFFFFE000  }
0x39: {  	[tilespmem:s14], [sflag:$0x1] =	stream.indirect.gather [hbm4b:s6+s13], $0x40, s24, s13, $0xb8;
	[tilespmem:$0x17C00] =	vst v63  }
0x3a: {  	_ =	swait.ge [sflag:s17], $0x2000  }
.Ltmp0:
0x3b: {  	[sflag:s17] =	ssyncset.done $0x0;
	(pc) =	sbr.rel @p0 .LBB2_2-.Ltmp0, $4  }
0x3c: {  	s23 =	sadd.s32 $0x4F80, s23;
	[sflag:s17] =	ssyncadd.s32 $0xFFFFE000  }
0x3d: {  	[spmem:s2] =	stream.indirect.scatter.add.f32 [tilespmem:s15], [sflag:$0x3], $0x40, s23, s13, $0xb8;
	[tilespmem:$0x17C00] =	vst v63  }
0x3e: {  	_ =	swait.ge [sflag:s8], $0x2000  }
0x3f: {  	s24 =	smov.u32 s28;
	s23 =	sshra.s32 s26, $0x2;
	[sflag:s8] =	ssyncset.done $0x0  }
0x40: {  	s24 =	sadd.s32 $0x80, s23;
	[sflag:s8] =	ssyncadd.s32 $0xFFFFE000  }
0x41: {  	[tilespmem:s15], [sflag:$0x2] =	stream.indirect.gather [hbm4b:s6+s13], $0x40, s24, s13, $0xb8;
	[tilespmem:$0x17C00] =	vst v63  }
0x42: {  	_ =	swait.ge [sflag:s16], $0x2000  }
0x43: {  	[sflag:s16] =	ssyncset.done $0x0  }
0x44: {  	s29 =	sadd.s32 $0x4F00, s23;
	[sflag:s16] =	ssyncadd.s32 $0xFFFFE000  }
0x45: {  	[spmem:s2] =	stream.indirect.scatter.add.f32 [tilespmem:s14], [sflag:$0x3], $0x40, s29, s13, $0xb8;
	[tilespmem:$0x17C00] =	vst v63  }
0x46: {  	_ =	swait.ge [sflag:s8], $0x2000  }
0x47: {  	[sflag:s8] =	ssyncset.done $0x0  }
0x48: {  	s30 =	sadd.s32 $0x100, s23;
	[sflag:s8] =	ssyncadd.s32 $0xFFFFE000  }
0x49: {  	[tilespmem:s14], [sflag:$0x1] =	stream.indirect.gather [hbm4b:s6+s13], $0x40, s30, s13, $0xb8;
	[tilespmem:$0x17C00] =	vst v63  }
0x4a: {  	_ =	swait.ge [sflag:s17], $0x2000  }
0x4b: {  	[sflag:s17] =	ssyncset.done $0x0  }
0x4c: {  	s31 =	sadd.s32 $0x4F80, s23;
	[sflag:s17] =	ssyncadd.s32 $0xFFFFE000  }
0x4d: {  	[spmem:s2] =	stream.indirect.scatter.add.f32 [tilespmem:s15], [sflag:$0x3], $0x40, s31, s13, $0xb8;
	[tilespmem:$0x17C00] =	vst v63  }
0x4e: {  	_ =	swait.ge [sflag:s8], $0x2000  }
0x4f: {  	[sflag:s8] =	ssyncset.done $0x0  }
0x50: {  	[sflag:s8] =	ssyncadd.s32 $0xFFFFE000  }
0x51: {  	[tilespmem:s15], [sflag:$0x2] =	stream.indirect.gather [hbm4b:s6+s13], $0x40, s18, s13, $0xb8;
	[tilespmem:$0x17C00] =	vst v63  }
0x52: {  	_ =	swait.ge [sflag:s16], $0x2000  }
0x53: {  	[sflag:s16] =	ssyncset.done $0x0  }
0x54: {  	[sflag:s16] =	ssyncadd.s32 $0xFFFFE000  }
0x55: {  	[spmem:s2] =	stream.indirect.scatter.add.f32 [tilespmem:s14], [sflag:$0x3], $0x40, s19, s13, $0xb8;
	[tilespmem:$0x17C00] =	vst v63  }
0x56: {  	_ =	swait.ge [sflag:s8], $0x2000  }
0x57: {  	[sflag:s8] =	ssyncset.done $0x0  }
0x58: {  	[sflag:s8] =	ssyncadd.s32 $0xFFFFE000  }
0x59: {  	_ =	swait.ge [sflag:s17], $0x2000  }
0x5a: {  	[sflag:s17] =	ssyncset.done $0x0  }
0x5b: {  	[sflag:s17] =	ssyncadd.s32 $0xFFFFE000  }
0x5c: {  	[spmem:s2] =	stream.indirect.scatter.add.f32 [tilespmem:s15], [sflag:$0x3], $0x40, s20, s13, $0xb8;
	[tilespmem:$0x17C00] =	vst v63  }
0x5d: {  	_ =	swait.ge [sflag:s8], $0x2000  }
0x5e: {  	s22 =	sadd.s32 $0x1, s22;
	[sflag:s8] =	ssyncset.done $0x0  }
0x5f: {  	p0 =	sne.s32 s22, s7;
	[sflag:s8] =	ssyncadd.s32 $0xFFFFE000  }
.Ltmp1:
0x60: {  	[bflag:$0x0] =	sbarrier.arrive $0xFFFF;
	(pc) =	sbr.rel @p0 .LBB2_1-.Ltmp1, $4  }
0x61: {  	[hbm:s21], [sflag:s11] =	dma.local [spmem:s12], $0x13C0  }
0x62: {  	_ =	swait.ge [sflag:s8], $0x13C0  }
0x63: {  	[sflag:s8] =	ssyncset.done $0x0  }
0x64: {  	[sflag:s8] =	ssyncadd.s32 $0xFFFFEC40  }
0x65: {  	_ =	sfence.sel $0x180000  }
0x66: {  	[bflag:$0x0] =	sbarrier.arrive $0xFFFF  }
0x67: {  	p0 =	sne.s32 s1, $0x0;
	_ =	strace $0x9000004A  }
0x68: {  	s0 =	sadd.s32 @!p0 $0x100000, s0;
	[bflag:$0x2] =	sbarrier.arrive $0xFFFF  }
0x69: {  	[sflag:s0] =	ssyncadd.tile.s32 @!p0 $0x1;
	_ =	shalt  }
.Lfunc_end2:
_tile_overlayer_lowered:
.L_overlay_start_2:
0x6a: {  	(tag) =	ssettag $0x2  }
0x6b: {  	s0 =	rddreg [dreg:$0x0];
	s2 =	stileid.u32  }
0x6c: {  	s1 =	rddreg [dreg:$0x1];
	p0 =	sne.s32 s2, $0x0  }
0x6d: {  	s3 =	rddreg [dreg:$0x2];
	[bflag:$0x3] =	sbarrier.arrive $0xFFFF;
	s2 =	simm.s32 @!p0 $0x1C03  }
0x6e: {  	[timem:s3], [sflag:s2] =	dma.local @!p0 [hbm:s0], s1  }
0x6f: {  	s0 =	simm.s32 @!p0 $0x3  }
0x70: {  	_ =	swait.ge @!p0 [sflag:s0], s1  }
0x71: {  	s1 =	ssub.s32 @!p0 $0x0, s1;
	[sflag:s0] =	ssyncset.done @!p0 $0x0  }
0x72: {  	[sflag:s0] =	ssyncadd.s32 @!p0 s1  }
0x73: {  	[bflag:$0x3] =	sbarrier.arrive $0xFFFF  }
0x74: {  	_ =	shalt  }

</sc_bundles>
